<compile_context>
chip_gen: v7x
topology: tpu7x:2x2x1
jax: 0.10.2.dev20260603
libtpu: 0.0.44.dev20260713+nightly
codegen_flags: <defaults>
</compile_context>

<pallas_src>
import math

import jax
import jax.numpy as jnp
from jax.experimental import pallas as pl

B, N, C_IN = 4, 16384, 128
NPOINT, NSAMPLE = 1024, 32
MLP_CH = (128, 128, 256)
TFD = 8
HEADS = 4
M_TOT = B * NPOINT * NSAMPLE

KNN_TILE_P = 128

ENH_TILE = 512
CONV_TILE = 2048



def _knn_kernel(xyz_ref, nxyz_ref, out_ref):
    TILE_P, S = KNN_TILE_P, NSAMPLE
    NCH = 8
    CH = N // NCH
    xyz = xyz_ref[0]
    a = nxyz_ref[0]
    cj2 = jnp.sum(xyz * xyz, axis=0, keepdims=True)
    dots = jax.lax.dot_general(a, xyz, (((0,), (0,)), ((), ())),
                               preferred_element_type=jnp.float32)
    d = cj2 - 2.0 * dots
    D3 = d.reshape(TILE_P, NCH, CH)
    cmin0 = jnp.min(D3, axis=2)
    chunkiota = jax.lax.broadcasted_iota(jnp.int32, (TILE_P, NCH), 1)
    laneiota = jax.lax.broadcasted_iota(jnp.int32, (TILE_P, CH), 1)
    slotiota = jax.lax.broadcasted_iota(jnp.int32, (TILE_P, S), 1)

    def body(i, carry):
        cmin, selbits, out = carry
        cstar = jnp.argmin(cmin, axis=-1).astype(jnp.int32)
        idx3 = jnp.broadcast_to(cstar[:, None, None], (TILE_P, 1, CH))
        contents = jnp.take_along_axis(D3, idx3, axis=1)[:, 0, :]
        hit = jax.lax.shift_right_logical(selbits, cstar[:, None]) & 1
        contents = jnp.where(hit == 1, jnp.inf, contents)
        lstar = jnp.argmin(contents, axis=-1).astype(jnp.int32)
        j = cstar * CH + lstar
        out = jnp.where(slotiota == i, j[:, None], out)
        selbits = selbits | jnp.where(
            laneiota == lstar[:, None],
            jax.lax.shift_left(jnp.ones_like(selbits), cstar[:, None]),
            jnp.zeros_like(selbits))
        c2 = jnp.where(laneiota == lstar[:, None], jnp.inf, contents)
        newmin = jnp.min(c2, axis=-1)
        cmin = jnp.where(chunkiota == cstar[:, None], newmin[:, None], cmin)
        return cmin, selbits, out

    selbits0 = jnp.zeros((TILE_P, CH), jnp.int32)
    out0 = jnp.zeros((TILE_P, S), jnp.int32)
    _, _, sel = jax.lax.fori_loop(0, S, body, (cmin0, selbits0, out0))
    out_ref[0] = sel


def _knn_pallas(xyz, new_xyz):
    return pl.pallas_call(
        _knn_kernel,
        grid=(B, NPOINT // KNN_TILE_P),
        in_specs=[
            pl.BlockSpec((1, 3, N), lambda b, p: (b, 0, 0)),
            pl.BlockSpec((1, 3, KNN_TILE_P), lambda b, p: (b, 0, p)),
        ],
        out_specs=pl.BlockSpec((1, KNN_TILE_P, NSAMPLE), lambda b, p: (b, p, 0)),
        out_shape=jax.ShapeDtypeStruct((B, NPOINT, NSAMPLE), jnp.int32),
    )(xyz, new_xyz)



def _enh_kernel(p_ref, t_ref, tew1_ref, teb1_ref, tew2_ref, teb2_ref,
                tfw1_ref, tfb1_ref, tfw2_ref, tfb2_ref, out_ref):
    pts = p_ref[0]
    t = t_ref[0]
    tf1 = jnp.maximum(t * tew1_ref[...][None, :, 0] + teb1_ref[...][None, :], 0.0)
    tf2 = jax.lax.dot_general(tf1, tew2_ref[...], (((1,), (1,)), ((), ())),
                              preferred_element_type=jnp.float32) + teb2_ref[...][None, :]
    kidx = jax.lax.broadcasted_iota(jnp.int32, (ENH_TILE, TFD), 1)
    freq = jnp.exp((kidx // 2 * 2).astype(jnp.float32) * (-(math.log(10000.0) / TFD)))
    pos = t * freq
    pe = jnp.where(kidx % 2 == 0, jnp.sin(pos), jnp.cos(pos))
    tf = tf2 + pe
    comb = jnp.concatenate([pts, tf], axis=1)
    h = jnp.maximum(jax.lax.dot_general(comb, tfw1_ref[...], (((1,), (1,)), ((), ())),
                                        preferred_element_type=jnp.float32)
                    + tfb1_ref[...][None, :], 0.0)
    out_ref[0] = jax.lax.dot_general(h, tfw2_ref[...], (((1,), (1,)), ((), ())),
                                     preferred_element_type=jnp.float32) + tfb2_ref[...][None, :]


def _enh_pallas(pointsT, tT, te_w1, te_b1, te_w2, te_b2, tf_w1, tf_b1, tf_w2, tf_b2):
    nt = N // ENH_TILE
    return pl.pallas_call(
        _enh_kernel,
        grid=(B, nt),
        in_specs=[
            pl.BlockSpec((1, ENH_TILE, C_IN), lambda b, i: (b, i, 0)),
            pl.BlockSpec((1, ENH_TILE, 1), lambda b, i: (b, i, 0)),
            pl.BlockSpec(te_w1.shape, lambda b, i: (0, 0)),
            pl.BlockSpec(te_b1.shape, lambda b, i: (0,)),
            pl.BlockSpec(te_w2.shape, lambda b, i: (0, 0)),
            pl.BlockSpec(te_b2.shape, lambda b, i: (0,)),
            pl.BlockSpec(tf_w1.shape, lambda b, i: (0, 0)),
            pl.BlockSpec(tf_b1.shape, lambda b, i: (0,)),
            pl.BlockSpec(tf_w2.shape, lambda b, i: (0, 0)),
            pl.BlockSpec(tf_b2.shape, lambda b, i: (0,)),
        ],
        out_specs=pl.BlockSpec((1, ENH_TILE, C_IN), lambda b, i: (b, i, 0)),
        out_shape=jax.ShapeDtypeStruct((B, N, C_IN), jnp.float32),
    )(pointsT, tT, te_w1, te_b1, te_w2, te_b2, tf_w1, tf_b1, tf_w2, tf_b2)



def _acc_stats(z, s_ref, q_ref):
    zg = z.reshape(CONV_TILE // 8, 8, z.shape[-1])

    @pl.when(pl.program_id(0) == 0)
    def _():
        s_ref[...] = jnp.zeros_like(s_ref)
        q_ref[...] = jnp.zeros_like(q_ref)

    s_ref[...] += jnp.sum(zg, axis=0)
    q_ref[...] += jnp.sum(zg * zg, axis=0)


def _bn_affine(s_ref, q_ref, g_ref, b_ref):
    mu = jnp.sum(s_ref[...], axis=0, keepdims=True) / M_TOT
    var = jnp.sum(q_ref[...], axis=0, keepdims=True) / M_TOT - mu * mu
    sc = g_ref[...][None, :] / jnp.sqrt(var + 1e-5)
    sh = b_ref[...][None, :] - mu * sc
    return sc, sh


def _pass1_kernel(gx_ref, gf_ref, nx_ref, w_ref, b_ref, z_ref, s_ref, q_ref):
    ng = CONV_TILE // NSAMPLE
    gx = gx_ref[...]
    nx = nx_ref[...]
    rel = gx - jnp.broadcast_to(nx[:, None, :], (ng, NSAMPLE, 16)).reshape(CONV_TILE, 16)
    x = jnp.concatenate([rel[:, :3], gf_ref[...]], axis=1)
    z = jax.lax.dot_general(x, w_ref[...], (((1,), (1,)), ((), ())),
                            preferred_element_type=jnp.float32) + b_ref[...][None, :]
    z_ref[...] = z
    _acc_stats(z, s_ref, q_ref)


def _passmid_kernel(z_ref, s_ref, q_ref, g_ref, be_ref, w_ref, b_ref,
                    zo_ref, so_ref, qo_ref):
    sc, sh = _bn_affine(s_ref, q_ref, g_ref, be_ref)
    h = jnp.maximum(z_ref[...] * sc + sh, 0.0)
    z = jax.lax.dot_general(h, w_ref[...], (((1,), (1,)), ((), ())),
                            preferred_element_type=jnp.float32) + b_ref[...][None, :]
    zo_ref[...] = z
    _acc_stats(z, so_ref, qo_ref)


def _pass3_kernel(z_ref, s_ref, q_ref, g_ref, be_ref, w_ref, b_ref,
                  zmax_ref, zmin_ref, so_ref, qo_ref):
    sc, sh = _bn_affine(s_ref, q_ref, g_ref, be_ref)
    h = jnp.maximum(z_ref[...] * sc + sh, 0.0)
    z = jax.lax.dot_general(h, w_ref[...], (((1,), (1,)), ((), ())),
                            preferred_element_type=jnp.float32) + b_ref[...][None, :]
    zg = z.reshape(CONV_TILE // NSAMPLE, NSAMPLE, MLP_CH[2])
    zmax_ref[...] = jnp.max(zg, axis=1)
    zmin_ref[...] = jnp.min(zg, axis=1)
    _acc_stats(z, so_ref, qo_ref)


def _conv_stack(gx, gf, nxf, c1_w, c1_b, c2_w, c2_b, c3_w, c3_b,
                bn1_g, bn1_b, bn2_g, bn2_b):
    nsteps = M_TOT // CONV_TILE
    ng = CONV_TILE // NSAMPLE
    z1, s1, q1 = pl.pallas_call(
        _pass1_kernel,
        grid=(nsteps,),
        in_specs=[
            pl.BlockSpec((CONV_TILE, 16), lambda i: (i, 0)),
            pl.BlockSpec((CONV_TILE, C_IN), lambda i: (i, 0)),
            pl.BlockSpec((ng, 16), lambda i: (i, 0)),
            pl.BlockSpec(c1_w.shape, lambda i: (0, 0)),
            pl.BlockSpec(c1_b.shape, lambda i: (0,)),
        ],
        out_specs=[
            pl.BlockSpec((CONV_TILE, MLP_CH[0]), lambda i: (i, 0)),
            pl.BlockSpec((8, MLP_CH[0]), lambda i: (0, 0)),
            pl.BlockSpec((8, MLP_CH[0]), lambda i: (0, 0)),
        ],
        out_shape=[
            jax.ShapeDtypeStruct((M_TOT, MLP_CH[0]), jnp.float32),
            jax.ShapeDtypeStruct((8, MLP_CH[0]), jnp.float32),
            jax.ShapeDtypeStruct((8, MLP_CH[0]), jnp.float32),
        ],
    )(gx, gf, nxf, c1_w, c1_b)

    z2, s2, q2 = pl.pallas_call(
        _passmid_kernel,
        grid=(nsteps,),
        in_specs=[
            pl.BlockSpec((CONV_TILE, MLP_CH[0]), lambda i: (i, 0)),
            pl.BlockSpec((8, MLP_CH[0]), lambda i: (0, 0)),
            pl.BlockSpec((8, MLP_CH[0]), lambda i: (0, 0)),
            pl.BlockSpec(bn1_g.shape, lambda i: (0,)),
            pl.BlockSpec(bn1_b.shape, lambda i: (0,)),
            pl.BlockSpec(c2_w.shape, lambda i: (0, 0)),
            pl.BlockSpec(c2_b.shape, lambda i: (0,)),
        ],
        out_specs=[
            pl.BlockSpec((CONV_TILE, MLP_CH[1]), lambda i: (i, 0)),
            pl.BlockSpec((8, MLP_CH[1]), lambda i: (0, 0)),
            pl.BlockSpec((8, MLP_CH[1]), lambda i: (0, 0)),
        ],
        out_shape=[
            jax.ShapeDtypeStruct((M_TOT, MLP_CH[1]), jnp.float32),
            jax.ShapeDtypeStruct((8, MLP_CH[1]), jnp.float32),
            jax.ShapeDtypeStruct((8, MLP_CH[1]), jnp.float32),
        ],
    )(z1, s1, q1, bn1_g, bn1_b, c2_w, c2_b)

    zmax, zmin, s3, q3 = pl.pallas_call(
        _pass3_kernel,
        grid=(nsteps,),
        in_specs=[
            pl.BlockSpec((CONV_TILE, MLP_CH[1]), lambda i: (i, 0)),
            pl.BlockSpec((8, MLP_CH[1]), lambda i: (0, 0)),
            pl.BlockSpec((8, MLP_CH[1]), lambda i: (0, 0)),
            pl.BlockSpec(bn2_g.shape, lambda i: (0,)),
            pl.BlockSpec(bn2_b.shape, lambda i: (0,)),
            pl.BlockSpec(c3_w.shape, lambda i: (0, 0)),
            pl.BlockSpec(c3_b.shape, lambda i: (0,)),
        ],
        out_specs=[
            pl.BlockSpec((ng, MLP_CH[2]), lambda i: (i, 0)),
            pl.BlockSpec((ng, MLP_CH[2]), lambda i: (i, 0)),
            pl.BlockSpec((8, MLP_CH[2]), lambda i: (0, 0)),
            pl.BlockSpec((8, MLP_CH[2]), lambda i: (0, 0)),
        ],
        out_shape=[
            jax.ShapeDtypeStruct((B * NPOINT, MLP_CH[2]), jnp.float32),
            jax.ShapeDtypeStruct((B * NPOINT, MLP_CH[2]), jnp.float32),
            jax.ShapeDtypeStruct((8, MLP_CH[2]), jnp.float32),
            jax.ShapeDtypeStruct((8, MLP_CH[2]), jnp.float32),
        ],
    )(z2, s2, q2, bn2_g, bn2_b, c3_w, c3_b)
    return zmax, zmin, s3, q3



def _attn_kernel(zmax_ref, zmin_ref, s3_ref, q3_ref, g3_ref, b3_ref,
                 qw_ref, qb_ref, kw_ref, kb_ref, vw_ref, vb_ref,
                 ow3_ref, ob3_ref, lng_ref, lnb_ref, y_ref):
    C = MLP_CH[2]
    hd = C // HEADS
    sc3, sh3 = _bn_affine(s3_ref, q3_ref, g3_ref, b3_ref)
    pooled = jnp.where(sc3 >= 0.0,
                       zmax_ref[0] * sc3 + sh3,
                       zmin_ref[0] * sc3 + sh3)
    acc = jnp.zeros((NPOINT, C), jnp.float32)
    for si, scale in enumerate((4, 8, 16)):
        nw = NPOINT // scale
        rid = jax.lax.broadcasted_iota(jnp.int32, (nw, NPOINT), 0)
        cid = jax.lax.broadcasted_iota(jnp.int32, (nw, NPOINT), 1)
        pm = jnp.where(cid // scale == rid, 1.0 / scale, 0.0)
        wx = jax.lax.dot_general(pm, pooled, (((1,), (0,)), ((), ())),
                                 preferred_element_type=jnp.float32)
        q = jax.lax.dot_general(wx, qw_ref[...], (((1,), (1,)), ((), ())),
                                preferred_element_type=jnp.float32) + qb_ref[...][None, :]
        k = jax.lax.dot_general(wx, kw_ref[...], (((1,), (1,)), ((), ())),
                                preferred_element_type=jnp.float32) + kb_ref[...][None, :]
        v = jax.lax.dot_general(wx, vw_ref[...], (((1,), (1,)), ((), ())),
                                preferred_element_type=jnp.float32) + vb_ref[...][None, :]
        heads = []
        for h in range(HEADS):
            qh = q[:, h * hd:(h + 1) * hd]
            kh = k[:, h * hd:(h + 1) * hd]
            vh = v[:, h * hd:(h + 1) * hd]
            s = jax.lax.dot_general(qh, kh, (((1,), (1,)), ((), ())),
                                    preferred_element_type=jnp.float32) / math.sqrt(hd)
            m = jnp.max(s, axis=-1, keepdims=True)
            e = jnp.exp(s - m)
            aw = e / jnp.sum(e, axis=-1, keepdims=True)
            heads.append(jax.lax.dot_general(aw, vh, (((1,), (0,)), ((), ())),
                                             preferred_element_type=jnp.float32))
        att = jnp.concatenate(heads, axis=1)
        att = jax.lax.dot_general(att, ow3_ref[si], (((1,), (1,)), ((), ())),
                                  preferred_element_type=jnp.float32) + ob3_ref[...][si][None, :]
        r = jax.lax.broadcasted_iota(jnp.int32, (NPOINT, nw), 0).astype(jnp.float32)
        c = jax.lax.broadcasted_iota(jnp.int32, (NPOINT, nw), 1).astype(jnp.float32)
        src = jnp.clip((r + 0.5) * (nw / NPOINT) - 0.5, 0.0, nw - 1.0)
        i0 = jnp.floor(src)
        i1 = jnp.minimum(i0 + 1.0, nw - 1.0)
        w = src - i0
        wi = jnp.where(c == i0, 1.0 - w, 0.0) + jnp.where(c == i1, w, 0.0)
        acc += jax.lax.dot_general(wi, att, (((1,), (0,)), ((), ())),
                                   preferred_element_type=jnp.float32)
    y = pooled + acc
    mu = jnp.mean(y, axis=-1, keepdims=True)
    var = jnp.mean((y - mu) ** 2, axis=-1, keepdims=True)
    y_ref[0] = (y - mu) / jnp.sqrt(var + 1e-5) * lng_ref[...][None, :] + lnb_ref[...][None, :]


def _attn_pallas(zmax, zmin, s3, q3, bn3_g, bn3_b, q_w, q_b, k_w, k_b,
                 v_w, v_b, o_w3, o_b3, ln_g, ln_b):
    C = MLP_CH[2]
    return pl.pallas_call(
        _attn_kernel,
        grid=(B,),
        in_specs=[
            pl.BlockSpec((1, NPOINT, C), lambda b: (b, 0, 0)),
            pl.BlockSpec((1, NPOINT, C), lambda b: (b, 0, 0)),
            pl.BlockSpec((8, C), lambda b: (0, 0)),
            pl.BlockSpec((8, C), lambda b: (0, 0)),
            pl.BlockSpec((C,), lambda b: (0,)),
            pl.BlockSpec((C,), lambda b: (0,)),
            pl.BlockSpec((C, C), lambda b: (0, 0)),
            pl.BlockSpec((C,), lambda b: (0,)),
            pl.BlockSpec((C, C), lambda b: (0, 0)),
            pl.BlockSpec((C,), lambda b: (0,)),
            pl.BlockSpec((C, C), lambda b: (0, 0)),
            pl.BlockSpec((C,), lambda b: (0,)),
            pl.BlockSpec((3, C, C), lambda b: (0, 0, 0)),
            pl.BlockSpec((3, C), lambda b: (0, 0)),
            pl.BlockSpec((C,), lambda b: (0,)),
            pl.BlockSpec((C,), lambda b: (0,)),
        ],
        out_specs=pl.BlockSpec((1, NPOINT, C), lambda b: (b, 0, 0)),
        out_shape=jax.ShapeDtypeStruct((B, NPOINT, C), jnp.float32),
    )(zmax, zmin, s3, q3, bn3_g, bn3_b, q_w, q_b, k_w, k_b, v_w, v_b,
      o_w3, o_b3, ln_g, ln_b)



def kernel(xyz, points, time_stamps, te_w1, te_b1, te_w2, te_b2, tf_w1, tf_b1, tf_w2, tf_b2, c1_w, c1_b, c2_w, c2_b, c3_w, c3_b, bn1_g, bn1_b, bn2_g, bn2_b, bn3_g, bn3_b, q_w, q_b, k_w, k_b, v_w, v_b, o_w, o_b, sw, ln_g, ln_b):
    t = time_stamps[:, 0, :]
    tw = jax.nn.softmax(t * 10.0, axis=-1) + 0.1
    u = jax.random.uniform(jax.random.key(42), t.shape, jnp.float32, 1e-10, 1.0)
    gumbel = -jnp.log(-jnp.log(u))
    idx = jax.lax.top_k(jnp.log(tw) + gumbel, NPOINT)[1]
    new_xyz = jnp.take_along_axis(xyz, idx[:, None, :], axis=2)

    nidx = _knn_pallas(xyz, new_xyz)

    pointsT = points.transpose(0, 2, 1)
    tT = time_stamps.transpose(0, 2, 1)
    enh = _enh_pallas(pointsT, tT, te_w1, te_b1, te_w2, te_b2,
                      tf_w1, tf_b1, tf_w2, tf_b2)

    fidx = (nidx + (jnp.arange(B, dtype=jnp.int32) * N)[:, None, None]).reshape(-1)
    gf = jnp.take(enh.reshape(B * N, C_IN), fidx, axis=0)
    xyzT = xyz.transpose(0, 2, 1)
    xyz16 = jnp.pad(xyzT, ((0, 0), (0, 0), (0, 13))).reshape(B * N, 16)
    gx = jnp.take(xyz16, fidx, axis=0)
    nxf = jnp.pad(new_xyz.transpose(0, 2, 1), ((0, 0), (0, 0), (0, 13))).reshape(B * NPOINT, 16)

    zmax, zmin, s3, q3 = _conv_stack(gx, gf, nxf, c1_w, c1_b, c2_w, c2_b,
                                     c3_w, c3_b, bn1_g, bn1_b, bn2_g, bn2_b)

    o_w3 = o_w[None, :, :] * (sw / 3.0)[:, None, None]
    o_b3 = o_b[None, :] * (sw / 3.0)[:, None]
    y = _attn_pallas(zmax.reshape(B, NPOINT, MLP_CH[2]),
                     zmin.reshape(B, NPOINT, MLP_CH[2]),
                     s3, q3, bn3_g, bn3_b, q_w, q_b, k_w, k_b, v_w, v_b,
                     o_w3, o_b3, ln_g, ln_b)
    return new_xyz, y.transpose(0, 2, 1)

# --- scband reference (transcript-rebuilt; emitter-appended) ---
"""Pipeline reference for scband-enhanced-set-abstraction-8881992368320 (READ-ONLY COPY).

The authoritative reference and input builder live on the scoring server;
editing this copy changes nothing except your own understanding.
"""

import jax, jax.numpy as jnp
import numpy as np
import math

B, N, C_IN = 4, 16384, 128
NPOINT, NSAMPLE = 1024, 32
MLP = (128, 128, 256)
TFD = 8
HEADS = 4

def _lin(x, w, b):
    return x @ w.T + b

def _conv1x1(x, w, b):
    return jnp.einsum('oc,bchw->bohw', w, x) + b[None, :, None, None]

def _bn(x, g, be):
    m = x.mean(axis=(0, 2, 3), keepdims=True)
    v = x.var(axis=(0, 2, 3), keepdims=True)
    return (x - m) / jnp.sqrt(v + 1e-5) * g[None, :, None, None] + be[None, :, None, None]

def _interp_linear(x, size):
    L = x.shape[-1]
    src = (jnp.arange(size, dtype=jnp.float32) + 0.5) * (L / size) - 0.5
    src = jnp.clip(src, 0.0, L - 1.0)
    i0 = jnp.floor(src).astype(jnp.int32)
    i1 = jnp.minimum(i0 + 1, L - 1)
    w = src - i0.astype(jnp.float32)
    return x[..., i0] * (1.0 - w) + x[..., i1] * w

def setup_inputs(seed=0):
    key = jax.random.key(seed)
    ks = jax.random.split(key, 24)
    def w(k, shape):
        return jax.random.normal(k, shape, jnp.float32) * 0.05
    inp = {}
    inp['xyz'] = jax.random.normal(ks[0], (B, 3, N), jnp.float32)
    inp['points'] = jax.random.normal(ks[1], (B, C_IN, N), jnp.float32)
    inp['time_stamps'] = jax.random.uniform(ks[2], (B, 1, N), jnp.float32)
    inp['te_w1'] = w(ks[3], (TFD // 2, 1)); inp['te_b1'] = jnp.zeros((TFD // 2,), jnp.float32)
    inp['te_w2'] = w(ks[4], (TFD, TFD // 2)); inp['te_b2'] = jnp.zeros((TFD,), jnp.float32)
    inp['tf_w1'] = w(ks[5], (C_IN * 2, C_IN + TFD)); inp['tf_b1'] = jnp.zeros((C_IN * 2,), jnp.float32)
    inp['tf_w2'] = w(ks[6], (C_IN, C_IN * 2)); inp['tf_b2'] = jnp.zeros((C_IN,), jnp.float32)
    inp['c1_w'] = w(ks[7], (MLP[0], C_IN + 3)); inp['c1_b'] = jnp.zeros((MLP[0],), jnp.float32)
    inp['c2_w'] = w(ks[8], (MLP[1], MLP[0])); inp['c2_b'] = jnp.zeros((MLP[1],), jnp.float32)
    inp['c3_w'] = w(ks[9], (MLP[2], MLP[1])); inp['c3_b'] = jnp.zeros((MLP[2],), jnp.float32)
    inp['bn1_g'] = jnp.ones((MLP[0],), jnp.float32); inp['bn1_b'] = jnp.zeros((MLP[0],), jnp.float32)
    inp['bn2_g'] = jnp.ones((MLP[1],), jnp.float32); inp['bn2_b'] = jnp.zeros((MLP[1],), jnp.float32)
    inp['bn3_g'] = jnp.ones((MLP[2],), jnp.float32); inp['bn3_b'] = jnp.zeros((MLP[2],), jnp.float32)
    inp['q_w'] = w(ks[10], (MLP[2], MLP[2])); inp['q_b'] = jnp.zeros((MLP[2],), jnp.float32)
    inp['k_w'] = w(ks[11], (MLP[2], MLP[2])); inp['k_b'] = jnp.zeros((MLP[2],), jnp.float32)
    inp['v_w'] = w(ks[12], (MLP[2], MLP[2])); inp['v_b'] = jnp.zeros((MLP[2],), jnp.float32)
    inp['o_w'] = w(ks[13], (MLP[2], MLP[2])); inp['o_b'] = jnp.zeros((MLP[2],), jnp.float32)
    inp['sw'] = jnp.ones((3,), jnp.float32)
    inp['ln_g'] = jnp.ones((MLP[2],), jnp.float32); inp['ln_b'] = jnp.zeros((MLP[2],), jnp.float32)
    return inp

def _forward(xyz, points, time_stamps, te_w1, te_b1, te_w2, te_b2, tf_w1, tf_b1, tf_w2, tf_b2, c1_w, c1_b, c2_w, c2_b, c3_w, c3_b, bn1_g, bn1_b, bn2_g, bn2_b, bn3_g, bn3_b, q_w, q_b, k_w, k_b, v_w, v_b, o_w, o_b, sw, ln_g, ln_b):
    Bq = xyz.shape[0]
    t = time_stamps[:, 0, :]
    tw = jax.nn.softmax(t * 10.0, axis=-1) + 0.1
    u = jax.random.uniform(jax.random.key(42), t.shape, jnp.float32, 1e-10, 1.0)
    gumbel = -jnp.log(-jnp.log(u))
    idx = jax.lax.top_k(jnp.log(tw) + gumbel, NPOINT)[1]
    new_xyz = jnp.take_along_axis(xyz, idx[:, None, :], axis=2)
    new_time = jnp.take_along_axis(time_stamps, idx[:, None, :], axis=2)
    a = new_xyz.transpose(0, 2, 1)
    c = xyz.transpose(0, 2, 1)
    d2 = jnp.sum(a * a, -1)[:, :, None] + jnp.sum(c * c, -1)[:, None, :] - 2.0 * jnp.einsum('bid,bjd->bij', a, c)
    dist = jnp.sqrt(jnp.maximum(d2, 1e-12))
    nidx = jax.lax.top_k(-dist, NSAMPLE)[1]
    grouped_xyz = jnp.take_along_axis(xyz[:, :, None, :], nidx[:, None, :, :], axis=3)
    grouped_xyz = (grouped_xyz - new_xyz[:, :, :, None]).transpose(0, 1, 3, 2)
    tf = jax.nn.relu(_lin(t[..., None], te_w1, te_b1))
    tf = _lin(tf, te_w2, te_b2)
    div = jnp.exp(jnp.arange(0, TFD, 2, dtype=jnp.float32) * (-(math.log(10000.0) / TFD)))
    pos = t[..., None] * div
    pe = jnp.stack([jnp.sin(pos), jnp.cos(pos)], axis=-1).reshape(Bq, t.shape[1], TFD)
    tf = tf + pe
    comb = jnp.concatenate([points.transpose(0, 2, 1), tf], axis=-1)
    enh = _lin(jax.nn.relu(_lin(comb, tf_w1, tf_b1)), tf_w2, tf_b2).transpose(0, 2, 1)
    gp = jnp.take_along_axis(enh[:, :, None, :], nidx[:, None, :, :], axis=3)
    np_in = jnp.concatenate([grouped_xyz, gp.transpose(0, 1, 3, 2)], axis=1)
    h = jax.nn.relu(_bn(_conv1x1(np_in, c1_w, c1_b), bn1_g, bn1_b))
    h = jax.nn.relu(_bn(_conv1x1(h, c2_w, c2_b), bn2_g, bn2_b))
    h = _bn(_conv1x1(h, c3_w, c3_b), bn3_g, bn3_b)
    pooled = jnp.max(h, axis=2)
    x_in = pooled.transpose(0, 2, 1)
    hd = MLP[2] // HEADS
    outs = []
    for i, scale in enumerate((4, 8, 16)):
        nw = NPOINT // scale
        wx = x_in[:, :nw * scale, :].reshape(Bq, nw, scale, MLP[2]).mean(axis=2)
        q = _lin(wx, q_w, q_b).reshape(Bq, nw, HEADS, hd).transpose(0, 2, 1, 3)
        kk = _lin(wx, k_w, k_b).reshape(Bq, nw, HEADS, hd).transpose(0, 2, 1, 3)
        vv = _lin(wx, v_w, v_b).reshape(Bq, nw, HEADS, hd).transpose(0, 2, 1, 3)
        sc = jnp.einsum('bhid,bhjd->bhij', q, kk) / math.sqrt(hd)
        aw = jax.nn.softmax(sc, axis=-1)
        att = jnp.einsum('bhij,bhjd->bhid', aw, vv).transpose(0, 2, 1, 3).reshape(Bq, nw, MLP[2])
        att = _lin(att, o_w, o_b)
        if nw < NPOINT:
            att = _interp_linear(att.transpose(0, 2, 1), NPOINT).transpose(0, 2, 1)
        outs.append(att * sw[i])
    ms = (outs[0] + outs[1] + outs[2]) / 3.0
    y = x_in + ms
    mu = y.mean(axis=-1, keepdims=True)
    var = y.var(axis=-1, keepdims=True)
    y = (y - mu) / jnp.sqrt(var + 1e-5) * ln_g + ln_b
    return new_xyz, y.transpose(0, 2, 1)

def reference(xyz, points, time_stamps, te_w1, te_b1, te_w2, te_b2, tf_w1, tf_b1, tf_w2, tf_b2, c1_w, c1_b, c2_w, c2_b, c3_w, c3_b, bn1_g, bn1_b, bn2_g, bn2_b, bn3_g, bn3_b, q_w, q_b, k_w, k_b, v_w, v_b, o_w, o_b, sw, ln_g, ln_b):
    return _forward(xyz, points, time_stamps, te_w1, te_b1, te_w2, te_b2, tf_w1, tf_b1, tf_w2, tf_b2, c1_w, c1_b, c2_w, c2_b, c3_w, c3_b, bn1_g, bn1_b, bn2_g, bn2_b, bn3_g, bn3_b, q_w, q_b, k_w, k_b, v_w, v_b, o_w, o_b, sw, ln_g, ln_b)

if __name__ == "__main__":
    import jax
    _d = setup_inputs()
    print(jax.jit(kernel)(*tuple(_d.values())))

</pallas_src>

<mosaic_0001>
module attributes {stable_mosaic.version = 14 : i64} {
  func.func @_enh_kernel(%arg0: i32, %arg1: i32, %arg2: memref<1x512x128xf32, #tpu.memory_space<vmem>>, %arg3: memref<1x512x1xf32, #tpu.memory_space<vmem>>, %arg4: memref<4x1xf32, #tpu.memory_space<vmem>>, %arg5: memref<4xf32, #tpu.memory_space<vmem>>, %arg6: memref<8x4xf32, #tpu.memory_space<vmem>>, %arg7: memref<8xf32, #tpu.memory_space<vmem>>, %arg8: memref<256x136xf32, #tpu.memory_space<vmem>>, %arg9: memref<256xf32, #tpu.memory_space<vmem>>, %arg10: memref<128x256xf32, #tpu.memory_space<vmem>>, %arg11: memref<128xf32, #tpu.memory_space<vmem>>, %arg12: memref<1x512x128xf32, #tpu.memory_space<vmem>>) attributes {dimension_semantics = [#tpu.dimension_semantics<arbitrary>, #tpu.dimension_semantics<arbitrary>], iteration_bounds = array<i64: 4, 32>, scalar_prefetch = 0 : i64, scratch_operands = 0 : i64, tpu.core_type = #tpu.core_type<tc>, window_params = [{transform_indices = @transform_0, window_bounds = array<i64: 1, 512, 128>}, {transform_indices = @transform_1, window_bounds = array<i64: 1, 512, 1>}, {pipeline_mode = #tpu.pipeline_mode<synchronous>, transform_indices = @transform_2, window_bounds = array<i64: 4, 1>}, {pipeline_mode = #tpu.pipeline_mode<synchronous>, transform_indices = @transform_3, window_bounds = array<i64: 4>}, {pipeline_mode = #tpu.pipeline_mode<synchronous>, transform_indices = @transform_4, window_bounds = array<i64: 8, 4>}, {pipeline_mode = #tpu.pipeline_mode<synchronous>, transform_indices = @transform_5, window_bounds = array<i64: 8>}, {pipeline_mode = #tpu.pipeline_mode<synchronous>, transform_indices = @transform_6, window_bounds = array<i64: 256, 136>}, {pipeline_mode = #tpu.pipeline_mode<synchronous>, transform_indices = @transform_7, window_bounds = array<i64: 256>}, {pipeline_mode = #tpu.pipeline_mode<synchronous>, transform_indices = @transform_8, window_bounds = array<i64: 128, 256>}, {pipeline_mode = #tpu.pipeline_mode<synchronous>, transform_indices = @transform_9, window_bounds = array<i64: 128>}, {transform_indices = @transform_10, window_bounds = array<i64: 1, 512, 128>}]} {
    %get3A = arith.constant 0 : index
    %get3A_0 = arith.constant 0 : index
    %get3A_1 = arith.constant 0 : index
    %get3A_2 = vector.load %arg2[%get3A, %get3A_0, %get3A_1] : memref<1x512x128xf32, #tpu.memory_space<vmem>>, vector<1x512x128xf32>
    %get3A_3 = vector.shape_cast %get3A_2 : vector<1x512x128xf32> to vector<512x128xf32>
    %get3A_4 = arith.constant 0 : index
    %get3A_5 = arith.constant 0 : index
    %get3A_6 = arith.constant 0 : index
    %get3A_7 = vector.load %arg3[%get3A_4, %get3A_5, %get3A_6] : memref<1x512x1xf32, #tpu.memory_space<vmem>>, vector<1x512x1xf32>
    %get3A_8 = vector.shape_cast %get3A_7 : vector<1x512x1xf32> to vector<512x1xf32>
    %get3A_9 = arith.constant 0 : index
    %get3A_10 = arith.constant 0 : index
    %get3A_11 = vector.load %arg4[%get3A_9, %get3A_10] : memref<4x1xf32, #tpu.memory_space<vmem>>, vector<4x1xf32>
    %squeeze3A = vector.shape_cast %get3A_11 : vector<4x1xf32> to vector<4xf32>
    %broadcast_in_dim3A = vector.shape_cast %squeeze3A : vector<4xf32> to vector<1x4xf32>
    %mul3A = vector.broadcast %get3A_8 : vector<512x1xf32> to vector<512x4xf32>
    %mul3A_12 = vector.broadcast %broadcast_in_dim3A : vector<1x4xf32> to vector<512x4xf32>
    %mul3A_13 = arith.mulf %mul3A, %mul3A_12 : vector<512x4xf32>
    %get3A_14 = arith.constant 0 : index
    %get3A_15 = vector.load %arg5[%get3A_14] : memref<4xf32, #tpu.memory_space<vmem>>, vector<4xf32>
    %broadcast_in_dim3A_16 = vector.shape_cast %get3A_15 : vector<4xf32> to vector<1x4xf32>
    %add3A = vector.broadcast %broadcast_in_dim3A_16 : vector<1x4xf32> to vector<512x4xf32>
    %add3A_17 = arith.addf %mul3A_13, %add3A : vector<512x4xf32>
    %max3A = arith.constant 0.000000e+00 : f32
    %max3A_18 = vector.broadcast %max3A : f32 to vector<512x4xf32>
    %max3A_19 = arith.maximumf %add3A_17, %max3A_18 : vector<512x4xf32>
    %get3A_20 = arith.constant 0 : index
    %get3A_21 = arith.constant 0 : index
    %get3A_22 = vector.load %arg6[%get3A_20, %get3A_21] : memref<8x4xf32, #tpu.memory_space<vmem>>, vector<8x4xf32>
    %dot_general3A = arith.constant dense<0.000000e+00> : vector<512x8xf32>
    %dot_general3A_23 = tpu.matmul %max3A_19, %get3A_22, %dot_general3A {dimension_numbers = #tpu.dot_dimension_numbers<[1], [1], [0], [0], [0, 0, 1, 0], [], []>, transpose_lhs_hint = false} : vector<512x4xf32>, vector<8x4xf32>, vector<512x8xf32> -> vector<512x8xf32>
    %get3A_24 = arith.constant 0 : index
    %get3A_25 = vector.load %arg7[%get3A_24] : memref<8xf32, #tpu.memory_space<vmem>>, vector<8xf32>
    %broadcast_in_dim3A_26 = vector.shape_cast %get3A_25 : vector<8xf32> to vector<1x8xf32>
    %add3A_27 = vector.broadcast %broadcast_in_dim3A_26 : vector<1x8xf32> to vector<512x8xf32>
    %add3A_28 = arith.addf %dot_general3A_23, %add3A_27 : vector<512x8xf32>
    %iota3A = tpu.iota {dimensions = array<i32: 1>} : vector<512x8xi32>
    %jit3A = arith.constant 2 : i32
    %div3A = vector.broadcast %jit3A : i32 to vector<512x8xi32>
    %div3A_29 = arith.divsi %iota3A, %div3A : vector<512x8xi32>
    %sign3A = arith.constant 0 : i32
    %sign3A_30 = vector.broadcast %sign3A : i32 to vector<512x8xi32>
    %sign3A_31 = arith.cmpi sgt, %iota3A, %sign3A_30 : vector<512x8xi32>
    %sign3A_32 = arith.extui %sign3A_31 : vector<512x8xi1> to vector<512x8xi32>
    %sign3A_33 = arith.constant 0 : i32
    %sign3A_34 = vector.broadcast %sign3A_33 : i32 to vector<512x8xi32>
    %sign3A_35 = arith.cmpi slt, %iota3A, %sign3A_34 : vector<512x8xi32>
    %sign3A_36 = arith.extui %sign3A_35 : vector<512x8xi1> to vector<512x8xi32>
    %sign3A_37 = arith.subi %sign3A_32, %sign3A_36 : vector<512x8xi32>
    %sign3A_38 = arith.constant 0 : i32
    %sign3A_39 = arith.cmpi sgt, %jit3A, %sign3A_38 : i32
    %sign3A_40 = arith.extui %sign3A_39 : i1 to i32
    %sign3A_41 = arith.constant 0 : i32
    %sign3A_42 = arith.cmpi slt, %jit3A, %sign3A_41 : i32
    %sign3A_43 = arith.extui %sign3A_42 : i1 to i32
    %sign3A_44 = arith.subi %sign3A_40, %sign3A_43 : i32
    %ne3A = vector.broadcast %sign3A_44 : i32 to vector<512x8xi32>
    %ne3A_45 = arith.cmpi ne, %sign3A_37, %ne3A : vector<512x8xi32>
    %rem3A = vector.broadcast %jit3A : i32 to vector<512x8xi32>
    %rem3A_46 = arith.remsi %iota3A, %rem3A : vector<512x8xi32>
    %ne3A_47 = arith.constant 0 : i32
    %ne3A_48 = vector.broadcast %ne3A_47 : i32 to vector<512x8xi32>
    %ne3A_49 = arith.cmpi ne, %rem3A_46, %ne3A_48 : vector<512x8xi32>
    %and3A = arith.andi %ne3A_45, %ne3A_49 : vector<512x8xi1>
    %sub3A = arith.constant 1 : i32
    %sub3A_50 = vector.broadcast %sub3A : i32 to vector<512x8xi32>
    %sub3A_51 = arith.subi %div3A_29, %sub3A_50 : vector<512x8xi32>
    %select_n3A = arith.select %and3A, %sub3A_51, %div3A_29 : vector<512x8xi1>, vector<512x8xi32>
    %mul3A_52 = arith.constant 2 : i32
    %mul3A_53 = vector.broadcast %mul3A_52 : i32 to vector<512x8xi32>
    %mul3A_54 = arith.muli %select_n3A, %mul3A_53 : vector<512x8xi32>
    %convert_element_type3A = arith.sitofp %mul3A_54 : vector<512x8xi32> to vector<512x8xf32>
    %mul3A_55 = arith.constant -1.15129256 : f32
    %mul3A_56 = vector.broadcast %mul3A_55 : f32 to vector<512x8xf32>
    %mul3A_57 = arith.mulf %convert_element_type3A, %mul3A_56 : vector<512x8xf32>
    %exp3A = math.exp %mul3A_57 : vector<512x8xf32>
    %mul3A_58 = vector.broadcast %get3A_8 : vector<512x1xf32> to vector<512x8xf32>
    %mul3A_59 = arith.mulf %mul3A_58, %exp3A : vector<512x8xf32>
    %jit3A_60 = arith.constant 2 : i32
    %eq3A = arith.constant 0 : i32
    %eq3A_61 = arith.cmpi eq, %jit3A_60, %eq3A : i32
    %jit3A_62 = arith.constant 1 : i32
    %select_n3A_63 = arith.select %eq3A_61, %jit3A_62, %jit3A_60 : i32
    %rem3A_64 = vector.broadcast %select_n3A_63 : i32 to vector<512x8xi32>
    %rem3A_65 = arith.remsi %iota3A, %rem3A_64 : vector<512x8xi32>
    %ne3A_66 = arith.constant 0 : i32
    %ne3A_67 = vector.broadcast %ne3A_66 : i32 to vector<512x8xi32>
    %ne3A_68 = arith.cmpi ne, %rem3A_65, %ne3A_67 : vector<512x8xi32>
    %lt3A = arith.constant 0 : i32
    %lt3A_69 = vector.broadcast %lt3A : i32 to vector<512x8xi32>
    %lt3A_70 = arith.cmpi slt, %rem3A_65, %lt3A_69 : vector<512x8xi32>
    %lt3A_71 = arith.constant 0 : i32
    %lt3A_72 = arith.cmpi slt, %select_n3A_63, %lt3A_71 : i32
    %ne3A_73 = vector.broadcast %lt3A_72 : i1 to vector<512x8xi1>
    %ne3A_74 = vector.broadcast %ne3A_73 : vector<512x8xi1> to vector<512x8xi1>
    %ne3A_75 = arith.xori %lt3A_70, %ne3A_74 : vector<512x8xi1>
    %and3A_76 = arith.andi %ne3A_75, %ne3A_68 : vector<512x8xi1>
    %add3A_77 = vector.broadcast %select_n3A_63 : i32 to vector<512x8xi32>
    %add3A_78 = arith.addi %rem3A_65, %add3A_77 : vector<512x8xi32>
    %select_n3A_79 = arith.select %and3A_76, %add3A_78, %rem3A_65 : vector<512x8xi1>, vector<512x8xi32>
    %eq3A_80 = arith.constant 0 : i32
    %eq3A_81 = vector.broadcast %eq3A_80 : i32 to vector<512x8xi32>
    %eq3A_82 = arith.cmpi eq, %select_n3A_79, %eq3A_81 : vector<512x8xi32>
    %sin3A = math.sin %mul3A_59 : vector<512x8xf32>
    %cos3A = math.cos %mul3A_59 : vector<512x8xf32>
    %select_n3A_83 = arith.select %eq3A_82, %sin3A, %cos3A : vector<512x8xi1>, vector<512x8xf32>
    %add3A_84 = arith.addf %add3A_28, %select_n3A_83 : vector<512x8xf32>
    %concatenate3A = tpu.concatenate %get3A_3, %add3A_84 in 1 : vector<512x128xf32>, vector<512x8xf32> -> vector<512x136xf32>
    %get3A_85 = arith.constant 0 : index
    %get3A_86 = arith.constant 0 : index
    %get3A_87 = vector.load %arg8[%get3A_85, %get3A_86] : memref<256x136xf32, #tpu.memory_space<vmem>>, vector<256x136xf32>
    %dot_general3A_88 = arith.constant dense<0.000000e+00> : vector<512x256xf32>
    %dot_general3A_89 = tpu.matmul %concatenate3A, %get3A_87, %dot_general3A_88 {dimension_numbers = #tpu.dot_dimension_numbers<[1], [1], [0], [0], [0, 0, 1, 0], [], []>, transpose_lhs_hint = false} : vector<512x136xf32>, vector<256x136xf32>, vector<512x256xf32> -> vector<512x256xf32>
    %get3A_90 = arith.constant 0 : index
    %get3A_91 = vector.load %arg9[%get3A_90] : memref<256xf32, #tpu.memory_space<vmem>>, vector<256xf32>
    %broadcast_in_dim3A_92 = vector.shape_cast %get3A_91 : vector<256xf32> to vector<1x256xf32>
    %add3A_93 = vector.broadcast %broadcast_in_dim3A_92 : vector<1x256xf32> to vector<512x256xf32>
    %add3A_94 = arith.addf %dot_general3A_89, %add3A_93 : vector<512x256xf32>
    %max3A_95 = arith.constant 0.000000e+00 : f32
    %max3A_96 = vector.broadcast %max3A_95 : f32 to vector<512x256xf32>
    %max3A_97 = arith.maximumf %add3A_94, %max3A_96 : vector<512x256xf32>
    %get3A_98 = arith.constant 0 : index
    %get3A_99 = arith.constant 0 : index
    %get3A_100 = vector.load %arg10[%get3A_98, %get3A_99] : memref<128x256xf32, #tpu.memory_space<vmem>>, vector<128x256xf32>
    %dot_general3A_101 = arith.constant dense<0.000000e+00> : vector<512x128xf32>
    %dot_general3A_102 = tpu.matmul %max3A_97, %get3A_100, %dot_general3A_101 {dimension_numbers = #tpu.dot_dimension_numbers<[1], [1], [0], [0], [0, 0, 1, 0], [], []>, transpose_lhs_hint = false} : vector<512x256xf32>, vector<128x256xf32>, vector<512x128xf32> -> vector<512x128xf32>
    %get3A_103 = arith.constant 0 : index
    %get3A_104 = vector.load %arg11[%get3A_103] : memref<128xf32, #tpu.memory_space<vmem>>, vector<128xf32>
    %broadcast_in_dim3A_105 = vector.shape_cast %get3A_104 : vector<128xf32> to vector<1x128xf32>
    %add3A_106 = vector.broadcast %broadcast_in_dim3A_105 : vector<1x128xf32> to vector<512x128xf32>
    %add3A_107 = arith.addf %dot_general3A_102, %add3A_106 : vector<512x128xf32>
    %swap3A = arith.constant 0 : index
    %swap3A_108 = arith.constant 0 : index
    %swap3A_109 = arith.constant 0 : index
    %swap3A_110 = vector.load %arg12[%swap3A, %swap3A_108, %swap3A_109] : memref<1x512x128xf32, #tpu.memory_space<vmem>>, vector<1x512x128xf32>
    %swap3A_111 = vector.shape_cast %swap3A_110 : vector<1x512x128xf32> to vector<512x128xf32>
    %swap3A_112 = vector.shape_cast %add3A_107 : vector<512x128xf32> to vector<1x512x128xf32>
    tpu.vector_store %arg12[%swap3A, %swap3A_108, %swap3A_109], %swap3A_112 {strides = array<i32>} : memref<1x512x128xf32, #tpu.memory_space<vmem>>, vector<1x512x128xf32>,
    return
  }
  func.func @transform_0(%arg0: i32, %arg1: i32) -> (i32, i32, i32) {
    %c0_i32 = arith.constant 0 : i32
    %c0_i32_0 = arith.constant 0 : i32
    return %arg0, %arg1, %c0_i32 : i32, i32, i32
  }
  func.func @transform_1(%arg0: i32, %arg1: i32) -> (i32, i32, i32) {
    %c0_i32 = arith.constant 0 : i32
    %c0_i32_0 = arith.constant 0 : i32
    return %arg0, %arg1, %c0_i32 : i32, i32, i32
  }
  func.func @transform_2(%arg0: i32, %arg1: i32) -> (i32, i32) {
    %c0_i32 = arith.constant 0 : i32
    %c0_i32_0 = arith.constant 0 : i32
    %c0_i32_1 = arith.constant 0 : i32
    return %c0_i32, %c0_i32_0 : i32, i32
  }
  func.func @transform_3(%arg0: i32, %arg1: i32) -> i32 {
    %c0_i32 = arith.constant 0 : i32
    %c0_i32_0 = arith.constant 0 : i32
    return %c0_i32 : i32
  }
  func.func @transform_4(%arg0: i32, %arg1: i32) -> (i32, i32) {
    %c0_i32 = arith.constant 0 : i32
    %c0_i32_0 = arith.constant 0 : i32
    %c0_i32_1 = arith.constant 0 : i32
    return %c0_i32, %c0_i32_0 : i32, i32
  }
  func.func @transform_5(%arg0: i32, %arg1: i32) -> i32 {
    %c0_i32 = arith.constant 0 : i32
    %c0_i32_0 = arith.constant 0 : i32
    return %c0_i32 : i32
  }
  func.func @transform_6(%arg0: i32, %arg1: i32) -> (i32, i32) {
    %c0_i32 = arith.constant 0 : i32
    %c0_i32_0 = arith.constant 0 : i32
    %c0_i32_1 = arith.constant 0 : i32
    return %c0_i32, %c0_i32_0 : i32, i32
  }
  func.func @transform_7(%arg0: i32, %arg1: i32) -> i32 {
    %c0_i32 = arith.constant 0 : i32
    %c0_i32_0 = arith.constant 0 : i32
    return %c0_i32 : i32
  }
  func.func @transform_8(%arg0: i32, %arg1: i32) -> (i32, i32) {
    %c0_i32 = arith.constant 0 : i32
    %c0_i32_0 = arith.constant 0 : i32
    %c0_i32_1 = arith.constant 0 : i32
    return %c0_i32, %c0_i32_0 : i32, i32
  }
  func.func @transform_9(%arg0: i32, %arg1: i32) -> i32 {
    %c0_i32 = arith.constant 0 : i32
    %c0_i32_0 = arith.constant 0 : i32
    return %c0_i32 : i32
  }
  func.func @transform_10(%arg0: i32, %arg1: i32) -> (i32, i32, i32) {
    %c0_i32 = arith.constant 0 : i32
    %c0_i32_0 = arith.constant 0 : i32
    return %arg0, %arg1, %c0_i32 : i32, i32, i32
  }
}

module attributes {stable_mosaic.version = 14 : i64} {
  func.func @_knn_kernel(%arg0: i32, %arg1: i32, %arg2: memref<1x3x16384xf32, #tpu.memory_space<vmem>>, %arg3: memref<1x3x128xf32, #tpu.memory_space<vmem>>, %arg4: memref<1x128x32xi32, #tpu.memory_space<vmem>>) attributes {dimension_semantics = [#tpu.dimension_semantics<arbitrary>, #tpu.dimension_semantics<arbitrary>], iteration_bounds = array<i64: 4, 8>, scalar_prefetch = 0 : i64, scratch_operands = 0 : i64, tpu.core_type = #tpu.core_type<tc>, window_params = [{transform_indices = @transform_0, window_bounds = array<i64: 1, 3, 16384>}, {transform_indices = @transform_1, window_bounds = array<i64: 1, 3, 128>}, {transform_indices = @transform_2, window_bounds = array<i64: 1, 128, 32>}]} {
    %get3A = arith.constant 0 : index
    %get3A_0 = arith.constant 0 : index
    %get3A_1 = arith.constant 0 : index
    %get3A_2 = vector.load %arg2[%get3A, %get3A_0, %get3A_1] : memref<1x3x16384xf32, #tpu.memory_space<vmem>>, vector<1x3x16384xf32>
    %get3A_3 = vector.shape_cast %get3A_2 : vector<1x3x16384xf32> to vector<3x16384xf32>
    %get3A_4 = arith.constant 0 : index
    %get3A_5 = arith.constant 0 : index
    %get3A_6 = arith.constant 0 : index
    %get3A_7 = vector.load %arg3[%get3A_4, %get3A_5, %get3A_6] : memref<1x3x128xf32, #tpu.memory_space<vmem>>, vector<1x3x128xf32>
    %get3A_8 = vector.shape_cast %get3A_7 : vector<1x3x128xf32> to vector<3x128xf32>
    %mul3A = arith.mulf %get3A_3, %get3A_3 : vector<3x16384xf32>
    %reduce_sum3A = arith.constant dense<0.000000e+00> : vector<16384xf32>
    %reduce_sum3A_9 = vector.multi_reduction <add>, %mul3A, %reduce_sum3A [0] : vector<3x16384xf32> to vector<16384xf32>
    %broadcast_in_dim3A = vector.shape_cast %reduce_sum3A_9 : vector<16384xf32> to vector<1x16384xf32>
    %dot_general3A = arith.constant dense<0.000000e+00> : vector<128x16384xf32>
    %dot_general3A_10 = tpu.matmul %get3A_8, %get3A_3, %dot_general3A {dimension_numbers = #tpu.dot_dimension_numbers<[0], [0], [1], [1], [0, 1, 1, 1], [], []>, transpose_lhs_hint = false} : vector<3x128xf32>, vector<3x16384xf32>, vector<128x16384xf32> -> vector<128x16384xf32>
    %mul3A_11 = arith.constant 2.000000e+00 : f32
    %mul3A_12 = vector.broadcast %mul3A_11 : f32 to vector<128x16384xf32>
    %mul3A_13 = arith.mulf %mul3A_12, %dot_general3A_10 : vector<128x16384xf32>
    %sub3A = vector.broadcast %broadcast_in_dim3A : vector<1x16384xf32> to vector<128x16384xf32>
    %sub3A_14 = arith.subf %sub3A, %mul3A_13 : vector<128x16384xf32>
    %reshape3A = vector.shape_cast %sub3A_14 : vector<128x16384xf32> to vector<128x8x2048xf32>
    %reduce_min3A = arith.constant dense<0x7F800000> : vector<128x8xf32>
    %reduce_min3A_15 = vector.multi_reduction <minimumf>, %reshape3A, %reduce_min3A [2] : vector<128x8x2048xf32> to vector<128x8xf32>
    %iota3A = tpu.iota {dimensions = array<i32: 1>} : vector<128x8xi32>
    %iota3A_16 = tpu.iota {dimensions = array<i32: 1>} : vector<128x2048xi32>
    %iota3A_17 = tpu.iota {dimensions = array<i32: 1>} : vector<128x32xi32>
    %broadcast_in_dim3A_18 = arith.constant 0 : i32
    %broadcast_in_dim3A_19 = vector.broadcast %broadcast_in_dim3A_18 : i32 to vector<128x2048xi32>
    %broadcast_in_dim3A_20 = arith.constant 0 : i32
    %broadcast_in_dim3A_21 = vector.broadcast %broadcast_in_dim3A_20 : i32 to vector<128x32xi32>
    %scan3A = arith.constant 0 : i32
    %scan3A_22 = arith.constant 32 : i32
    %scan3A_23 = arith.addi %scan3A, %scan3A_22 : i32
    %scan3A_24 = arith.constant 1 : i32
    %scan3A_25:3 = scf.for %scan3A_32 = %scan3A to %scan3A_23 step %scan3A_24 iter_args(%scan3A_33 = %reduce_min3A_15, %scan3A_34 = %broadcast_in_dim3A_19, %scan3A_35 = %broadcast_in_dim3A_21) -> (vector<128x8xf32>, vector<128x2048xi32>, vector<128x32xi32>)  : i32 {
      %argmin3A = tpu.reduce_index %scan3A_33 {axis = 1 : i32, kind = #tpu.reduction_kind<arg_min>} : vector<128x8xf32> -> vector<128xi32>
      %broadcast_in_dim3A_36 = vector.shape_cast %argmin3A : vector<128xi32> to vector<128x1x1xi32>
      %broadcast_in_dim3A_37 = vector.shape_cast %broadcast_in_dim3A_36 : vector<128x1x1xi32> to vector<128x1x1xi32>
      %broadcast_in_dim3A_38 = vector.broadcast %broadcast_in_dim3A_37 : vector<128x1x1xi32> to vector<128x1x2048xi32>
      %lt3A = arith.constant 0 : i32
      %lt3A_39 = vector.broadcast %lt3A : i32 to vector<128x1x2048xi32>
      %lt3A_40 = arith.cmpi slt, %broadcast_in_dim3A_38, %lt3A_39 : vector<128x1x2048xi32>
      %add3A = arith.constant 8 : i32
      %add3A_41 = vector.broadcast %add3A : i32 to vector<128x1x2048xi32>
      %add3A_42 = arith.addi %broadcast_in_dim3A_38, %add3A_41 : vector<128x1x2048xi32>
      %select_n3A = arith.select %lt3A_40, %add3A_42, %broadcast_in_dim3A_38 : vector<128x1x2048xi1>, vector<128x1x2048xi32>
      %reshape3A_43 = vector.shape_cast %select_n3A : vector<128x1x2048xi32> to vector<128x1x2048x1xi32>
      %gather3A = vector.shape_cast %reshape3A_43 : vector<128x1x2048x1xi32> to vector<128x1x2048xi32>
      %gather3A_44 = tpu.dynamic_gather %reshape3A[%gather3A] in [1] : vector<128x8x2048xf32>, vector<128x1x2048xi32> -> vector<128x1x2048xf32>
      %squeeze3A = vector.shape_cast %gather3A_44 : vector<128x1x2048xf32> to vector<128x2048xf32>
      %broadcast_in_dim3A_45 = vector.shape_cast %argmin3A : vector<128xi32> to vector<128x1xi32>
      %shift_right_logical3A = vector.broadcast %broadcast_in_dim3A_45 : vector<128x1xi32> to vector<128x2048xi32>
      %shift_right_logical3A_46 = arith.shrui %scan3A_34, %shift_right_logical3A : vector<128x2048xi32>
      %and3A = arith.constant 1 : i32
      %and3A_47 = vector.broadcast %and3A : i32 to vector<128x2048xi32>
      %and3A_48 = arith.andi %shift_right_logical3A_46, %and3A_47 : vector<128x2048xi32>
      %eq3A = arith.constant 1 : i32
      %eq3A_49 = vector.broadcast %eq3A : i32 to vector<128x2048xi32>
      %eq3A_50 = arith.cmpi eq, %and3A_48, %eq3A_49 : vector<128x2048xi32>
      %jit3A = arith.constant 0x7F800000 : f32
      %broadcast_in_dim3A_51 = vector.broadcast %jit3A : f32 to vector<128x2048xf32>
      %select_n3A_52 = arith.select %eq3A_50, %broadcast_in_dim3A_51, %squeeze3A : vector<128x2048xi1>, vector<128x2048xf32>
      %argmin3A_53 = tpu.reduce_index %select_n3A_52 {axis = 1 : i32, kind = #tpu.reduction_kind<arg_min>} : vector<128x2048xf32> -> vector<128xi32>
      %mul3A_54 = arith.constant 2048 : i32
      %mul3A_55 = vector.broadcast %mul3A_54 : i32 to vector<128xi32>
      %mul3A_56 = arith.muli %argmin3A, %mul3A_55 : vector<128xi32>
      %add3A_57 = arith.addi %mul3A_56, %argmin3A_53 : vector<128xi32>
      %eq3A_58 = vector.broadcast %scan3A_32 : i32 to vector<128x32xi32>
      %eq3A_59 = arith.cmpi eq, %iota3A_17, %eq3A_58 : vector<128x32xi32>
      %broadcast_in_dim3A_60 = vector.shape_cast %add3A_57 : vector<128xi32> to vector<128x1xi32>
      %broadcast_in_dim3A_61 = vector.shape_cast %broadcast_in_dim3A_60 : vector<128x1xi32> to vector<128x1xi32>
      %broadcast_in_dim3A_62 = vector.broadcast %broadcast_in_dim3A_61 : vector<128x1xi32> to vector<128x32xi32>
      %select_n3A_63 = arith.select %eq3A_59, %broadcast_in_dim3A_62, %scan3A_35 : vector<128x32xi1>, vector<128x32xi32>
      %broadcast_in_dim3A_64 = vector.shape_cast %argmin3A_53 : vector<128xi32> to vector<128x1xi32>
      %eq3A_65 = vector.broadcast %broadcast_in_dim3A_64 : vector<128x1xi32> to vector<128x2048xi32>
      %eq3A_66 = arith.cmpi eq, %iota3A_16, %eq3A_65 : vector<128x2048xi32>
      %broadcast_in_dim3A_67 = arith.constant 1 : i32
      %broadcast_in_dim3A_68 = vector.broadcast %broadcast_in_dim3A_67 : i32 to vector<128x2048xi32>
      %broadcast_in_dim3A_69 = vector.shape_cast %argmin3A : vector<128xi32> to vector<128x1xi32>
      %shift_left3A = vector.broadcast %broadcast_in_dim3A_69 : vector<128x1xi32> to vector<128x2048xi32>
      %shift_left3A_70 = arith.shli %broadcast_in_dim3A_68, %shift_left3A : vector<128x2048xi32>
      %broadcast_in_dim3A_71 = arith.constant 0 : i32
      %broadcast_in_dim3A_72 = vector.broadcast %broadcast_in_dim3A_71 : i32 to vector<128x2048xi32>
      %select_n3A_73 = arith.select %eq3A_66, %shift_left3A_70, %broadcast_in_dim3A_72 : vector<128x2048xi1>, vector<128x2048xi32>
      %or3A = arith.ori %scan3A_34, %select_n3A_73 : vector<128x2048xi32>
      %broadcast_in_dim3A_74 = vector.shape_cast %argmin3A_53 : vector<128xi32> to vector<128x1xi32>
      %eq3A_75 = vector.broadcast %broadcast_in_dim3A_74 : vector<128x1xi32> to vector<128x2048xi32>
      %eq3A_76 = arith.cmpi eq, %iota3A_16, %eq3A_75 : vector<128x2048xi32>
      %jit3A_77 = arith.constant 0x7F800000 : f32
      %broadcast_in_dim3A_78 = vector.broadcast %jit3A_77 : f32 to vector<128x2048xf32>
      %select_n3A_79 = arith.select %eq3A_76, %broadcast_in_dim3A_78, %select_n3A_52 : vector<128x2048xi1>, vector<128x2048xf32>
      %reduce_min3A_80 = arith.constant dense<0x7F800000> : vector<128xf32>
      %reduce_min3A_81 = vector.multi_reduction <minimumf>, %select_n3A_79, %reduce_min3A_80 [1] : vector<128x2048xf32> to vector<128xf32>
      %broadcast_in_dim3A_82 = vector.shape_cast %argmin3A : vector<128xi32> to vector<128x1xi32>
      %eq3A_83 = vector.broadcast %broadcast_in_dim3A_82 : vector<128x1xi32> to vector<128x8xi32>
      %eq3A_84 = arith.cmpi eq, %iota3A, %eq3A_83 : vector<128x8xi32>
      %broadcast_in_dim3A_85 = vector.shape_cast %reduce_min3A_81 : vector<128xf32> to vector<128x1xf32>
      %broadcast_in_dim3A_86 = vector.shape_cast %broadcast_in_dim3A_85 : vector<128x1xf32> to vector<128x1xf32>
      %broadcast_in_dim3A_87 = vector.broadcast %broadcast_in_dim3A_86 : vector<128x1xf32> to vector<128x8xf32>
      %select_n3A_88 = arith.select %eq3A_84, %broadcast_in_dim3A_87, %scan3A_33 : vector<128x8xi1>, vector<128x8xf32>
      scf.yield %select_n3A_88, %or3A, %select_n3A_63 : vector<128x8xf32>, vector<128x2048xi32>, vector<128x32xi32>
    }
    %scan3A_26 = arith.constant 32 : i32
    %swap3A = arith.constant 0 : index
    %swap3A_27 = arith.constant 0 : index
    %swap3A_28 = arith.constant 0 : index
    %swap3A_29 = vector.load %arg4[%swap3A, %swap3A_27, %swap3A_28] : memref<1x128x32xi32, #tpu.memory_space<vmem>>, vector<1x128x32xi32>
    %swap3A_30 = vector.shape_cast %swap3A_29 : vector<1x128x32xi32> to vector<128x32xi32>
    %swap3A_31 = vector.shape_cast %scan3A_25#2 : vector<128x32xi32> to vector<1x128x32xi32>
    tpu.vector_store %arg4[%swap3A, %swap3A_27, %swap3A_28], %swap3A_31 {strides = array<i32>} : memref<1x128x32xi32, #tpu.memory_space<vmem>>, vector<1x128x32xi32>,
    return
  }
  func.func @transform_0(%arg0: i32, %arg1: i32) -> (i32, i32, i32) {
    %c0_i32 = arith.constant 0 : i32
    %c0_i32_0 = arith.constant 0 : i32
    %c0_i32_1 = arith.constant 0 : i32
    return %arg0, %c0_i32, %c0_i32_0 : i32, i32, i32
  }
  func.func @transform_1(%arg0: i32, %arg1: i32) -> (i32, i32, i32) {
    %c0_i32 = arith.constant 0 : i32
    %c0_i32_0 = arith.constant 0 : i32
    return %arg0, %c0_i32, %arg1 : i32, i32, i32
  }
  func.func @transform_2(%arg0: i32, %arg1: i32) -> (i32, i32, i32) {
    %c0_i32 = arith.constant 0 : i32
    %c0_i32_0 = arith.constant 0 : i32
    return %arg0, %arg1, %c0_i32 : i32, i32, i32
  }
}

module attributes {stable_mosaic.version = 14 : i64} {
  func.func @_pass1_kernel(%arg0: i32, %arg1: memref<2048x16xf32, #tpu.memory_space<vmem>>, %arg2: memref<2048x128xf32, #tpu.memory_space<vmem>>, %arg3: memref<64x16xf32, #tpu.memory_space<vmem>>, %arg4: memref<128x131xf32, #tpu.memory_space<vmem>>, %arg5: memref<128xf32, #tpu.memory_space<vmem>>, %arg6: memref<2048x128xf32, #tpu.memory_space<vmem>>, %arg7: memref<8x128xf32, #tpu.memory_space<vmem>>, %arg8: memref<8x128xf32, #tpu.memory_space<vmem>>) attributes {dimension_semantics = [#tpu.dimension_semantics<arbitrary>], iteration_bounds = array<i64: 64>, scalar_prefetch = 0 : i64, scratch_operands = 0 : i64, tpu.core_type = #tpu.core_type<tc>, window_params = [{transform_indices = @transform_0, window_bounds = array<i64: 2048, 16>}, {transform_indices = @transform_1, window_bounds = array<i64: 2048, 128>}, {transform_indices = @transform_2, window_bounds = array<i64: 64, 16>}, {pipeline_mode = #tpu.pipeline_mode<synchronous>, transform_indices = @transform_3, window_bounds = array<i64: 128, 131>}, {pipeline_mode = #tpu.pipeline_mode<synchronous>, transform_indices = @transform_4, window_bounds = array<i64: 128>}, {transform_indices = @transform_5, window_bounds = array<i64: 2048, 128>}, {pipeline_mode = #tpu.pipeline_mode<synchronous>, transform_indices = @transform_6, window_bounds = array<i64: 8, 128>}, {pipeline_mode = #tpu.pipeline_mode<synchronous>, transform_indices = @transform_7, window_bounds = array<i64: 8, 128>}]} {
    %get3A = arith.constant 0 : index
    %get3A_0 = arith.constant 0 : index
    %get3A_1 = vector.load %arg1[%get3A, %get3A_0] : memref<2048x16xf32, #tpu.memory_space<vmem>>, vector<2048x16xf32>
    %get3A_2 = arith.constant 0 : index
    %get3A_3 = arith.constant 0 : index
    %get3A_4 = vector.load %arg3[%get3A_2, %get3A_3] : memref<64x16xf32, #tpu.memory_space<vmem>>, vector<64x16xf32>
    %broadcast_in_dim3A = vector.shape_cast %get3A_4 : vector<64x16xf32> to vector<64x1x16xf32>
    %broadcast_in_dim3A_5 = vector.shape_cast %broadcast_in_dim3A : vector<64x1x16xf32> to vector<64x1x16xf32>
    %broadcast_in_dim3A_6 = vector.broadcast %broadcast_in_dim3A_5 : vector<64x1x16xf32> to vector<64x32x16xf32>
    %reshape3A = vector.shape_cast %broadcast_in_dim3A_6 : vector<64x32x16xf32> to vector<2048x16xf32>
    %sub3A = arith.subf %get3A_1, %reshape3A : vector<2048x16xf32>
    %slice3A = vector.extract_strided_slice %sub3A {offsets = [0, 0], sizes = [2048, 3], strides = [1, 1]} : vector<2048x16xf32> to vector<2048x3xf32>
    %get3A_7 = arith.constant 0 : index
    %get3A_8 = arith.constant 0 : index
    %get3A_9 = vector.load %arg2[%get3A_7, %get3A_8] : memref<2048x128xf32, #tpu.memory_space<vmem>>, vector<2048x128xf32>
    %concatenate3A = tpu.concatenate %slice3A, %get3A_9 in 1 : vector<2048x3xf32>, vector<2048x128xf32> -> vector<2048x131xf32>
    %get3A_10 = arith.constant 0 : index
    %get3A_11 = arith.constant 0 : index
    %get3A_12 = vector.load %arg4[%get3A_10, %get3A_11] : memref<128x131xf32, #tpu.memory_space<vmem>>, vector<128x131xf32>
    %dot_general3A = arith.constant dense<0.000000e+00> : vector<2048x128xf32>
    %dot_general3A_13 = tpu.matmul %concatenate3A, %get3A_12, %dot_general3A {dimension_numbers = #tpu.dot_dimension_numbers<[1], [1], [0], [0], [0, 0, 1, 0], [], []>, transpose_lhs_hint = false} : vector<2048x131xf32>, vector<128x131xf32>, vector<2048x128xf32> -> vector<2048x128xf32>
    %get3A_14 = arith.constant 0 : index
    %get3A_15 = vector.load %arg5[%get3A_14] : memref<128xf32, #tpu.memory_space<vmem>>, vector<128xf32>
    %broadcast_in_dim3A_16 = vector.shape_cast %get3A_15 : vector<128xf32> to vector<1x128xf32>
    %add3A = vector.broadcast %broadcast_in_dim3A_16 : vector<1x128xf32> to vector<2048x128xf32>
    %add3A_17 = arith.addf %dot_general3A_13, %add3A : vector<2048x128xf32>
    %swap3A = arith.constant 0 : index
    %swap3A_18 = arith.constant 0 : index
    %swap3A_19 = vector.load %arg6[%swap3A, %swap3A_18] : memref<2048x128xf32, #tpu.memory_space<vmem>>, vector<2048x128xf32>
    tpu.vector_store %arg6[%swap3A, %swap3A_18], %add3A_17 {strides = array<i32>} : memref<2048x128xf32, #tpu.memory_space<vmem>>, vector<2048x128xf32>,
    %reshape3A_20 = vector.shape_cast %add3A_17 : vector<2048x128xf32> to vector<256x8x128xf32>
    %eq3A = arith.constant 0 : i32
    %eq3A_21 = arith.cmpi eq, %arg0, %eq3A : i32
    %convert_element_type3A = arith.extui %eq3A_21 : i1 to i32
    %cond3A = arith.constant 0 : i32
    %cond3A_22 = arith.cmpi ne, %convert_element_type3A, %cond3A : i32
    scf.if %cond3A_22 {
      %broadcast_in_dim3A_40 = arith.constant 0.000000e+00 : f32
      %broadcast_in_dim3A_41 = vector.broadcast %broadcast_in_dim3A_40 : f32 to vector<8x128xf32>
      %swap3A_42 = arith.constant 0 : index
      %swap3A_43 = arith.constant 0 : index
      %swap3A_44 = vector.load %arg7[%swap3A_42, %swap3A_43] : memref<8x128xf32, #tpu.memory_space<vmem>>, vector<8x128xf32>
      tpu.vector_store %arg7[%swap3A_42, %swap3A_43], %broadcast_in_dim3A_41 {strides = array<i32>} : memref<8x128xf32, #tpu.memory_space<vmem>>, vector<8x128xf32>,
      %broadcast_in_dim3A_45 = arith.constant 0.000000e+00 : f32
      %broadcast_in_dim3A_46 = vector.broadcast %broadcast_in_dim3A_45 : f32 to vector<8x128xf32>
      %swap3A_47 = arith.constant 0 : index
      %swap3A_48 = arith.constant 0 : index
      %swap3A_49 = vector.load %arg8[%swap3A_47, %swap3A_48] : memref<8x128xf32, #tpu.memory_space<vmem>>, vector<8x128xf32>
      tpu.vector_store %arg8[%swap3A_47, %swap3A_48], %broadcast_in_dim3A_46 {strides = array<i32>} : memref<8x128xf32, #tpu.memory_space<vmem>>, vector<8x128xf32>,
    } else {
    }
    %get3A_23 = arith.constant 0 : index
    %get3A_24 = arith.constant 0 : index
    %get3A_25 = vector.load %arg7[%get3A_23, %get3A_24] : memref<8x128xf32, #tpu.memory_space<vmem>>, vector<8x128xf32>
    %reduce_sum3A = arith.constant dense<0.000000e+00> : vector<8x128xf32>
    %reduce_sum3A_26 = vector.multi_reduction <add>, %reshape3A_20, %reduce_sum3A [0] : vector<256x8x128xf32> to vector<8x128xf32>
    %add3A_27 = arith.addf %get3A_25, %reduce_sum3A_26 : vector<8x128xf32>
    %swap3A_28 = arith.constant 0 : index
    %swap3A_29 = arith.constant 0 : index
    %swap3A_30 = vector.load %arg7[%swap3A_28, %swap3A_29] : memref<8x128xf32, #tpu.memory_space<vmem>>, vector<8x128xf32>
    tpu.vector_store %arg7[%swap3A_28, %swap3A_29], %add3A_27 {strides = array<i32>} : memref<8x128xf32, #tpu.memory_space<vmem>>, vector<8x128xf32>,
    %get3A_31 = arith.constant 0 : index
    %get3A_32 = arith.constant 0 : index
    %get3A_33 = vector.load %arg8[%get3A_31, %get3A_32] : memref<8x128xf32, #tpu.memory_space<vmem>>, vector<8x128xf32>
    %mul3A = arith.mulf %reshape3A_20, %reshape3A_20 : vector<256x8x128xf32>
    %reduce_sum3A_34 = arith.constant dense<0.000000e+00> : vector<8x128xf32>
    %reduce_sum3A_35 = vector.multi_reduction <add>, %mul3A, %reduce_sum3A_34 [0] : vector<256x8x128xf32> to vector<8x128xf32>
    %add3A_36 = arith.addf %get3A_33, %reduce_sum3A_35 : vector<8x128xf32>
    %swap3A_37 = arith.constant 0 : index
    %swap3A_38 = arith.constant 0 : index
    %swap3A_39 = vector.load %arg8[%swap3A_37, %swap3A_38] : memref<8x128xf32, #tpu.memory_space<vmem>>, vector<8x128xf32>
    tpu.vector_store %arg8[%swap3A_37, %swap3A_38], %add3A_36 {strides = array<i32>} : memref<8x128xf32, #tpu.memory_space<vmem>>, vector<8x128xf32>,
    return
  }
  func.func @transform_0(%arg0: i32) -> (i32, i32) {
    %c0_i32 = arith.constant 0 : i32
    %c0_i32_0 = arith.constant 0 : i32
    return %arg0, %c0_i32 : i32, i32
  }
  func.func @transform_1(%arg0: i32) -> (i32, i32) {
    %c0_i32 = arith.constant 0 : i32
    %c0_i32_0 = arith.constant 0 : i32
    return %arg0, %c0_i32 : i32, i32
  }
  func.func @transform_2(%arg0: i32) -> (i32, i32) {
    %c0_i32 = arith.constant 0 : i32
    %c0_i32_0 = arith.constant 0 : i32
    return %arg0, %c0_i32 : i32, i32
  }
  func.func @transform_3(%arg0: i32) -> (i32, i32) {
    %c0_i32 = arith.constant 0 : i32
    %c0_i32_0 = arith.constant 0 : i32
    %c0_i32_1 = arith.constant 0 : i32
    return %c0_i32, %c0_i32_0 : i32, i32
  }
  func.func @transform_4(%arg0: i32) -> i32 {
    %c0_i32 = arith.constant 0 : i32
    %c0_i32_0 = arith.constant 0 : i32
    return %c0_i32 : i32
  }
  func.func @transform_5(%arg0: i32) -> (i32, i32) {
    %c0_i32 = arith.constant 0 : i32
    %c0_i32_0 = arith.constant 0 : i32
    return %arg0, %c0_i32 : i32, i32
  }
  func.func @transform_6(%arg0: i32) -> (i32, i32) {
    %c0_i32 = arith.constant 0 : i32
    %c0_i32_0 = arith.constant 0 : i32
    %c0_i32_1 = arith.constant 0 : i32
    return %c0_i32, %c0_i32_0 : i32, i32
  }
  func.func @transform_7(%arg0: i32) -> (i32, i32) {
    %c0_i32 = arith.constant 0 : i32
    %c0_i32_0 = arith.constant 0 : i32
    %c0_i32_1 = arith.constant 0 : i32
    return %c0_i32, %c0_i32_0 : i32, i32
  }
}

module attributes {stable_mosaic.version = 14 : i64} {
  func.func @_passmid_kernel(%arg0: i32, %arg1: memref<2048x128xf32, #tpu.memory_space<vmem>>, %arg2: memref<8x128xf32, #tpu.memory_space<vmem>>, %arg3: memref<8x128xf32, #tpu.memory_space<vmem>>, %arg4: memref<128xf32, #tpu.memory_space<vmem>>, %arg5: memref<128xf32, #tpu.memory_space<vmem>>, %arg6: memref<128x128xf32, #tpu.memory_space<vmem>>, %arg7: memref<128xf32, #tpu.memory_space<vmem>>, %arg8: memref<2048x128xf32, #tpu.memory_space<vmem>>, %arg9: memref<8x128xf32, #tpu.memory_space<vmem>>, %arg10: memref<8x128xf32, #tpu.memory_space<vmem>>) attributes {dimension_semantics = [#tpu.dimension_semantics<arbitrary>], iteration_bounds = array<i64: 64>, scalar_prefetch = 0 : i64, scratch_operands = 0 : i64, tpu.core_type = #tpu.core_type<tc>, window_params = [{transform_indices = @transform_0, window_bounds = array<i64: 2048, 128>}, {pipeline_mode = #tpu.pipeline_mode<synchronous>, transform_indices = @transform_1, window_bounds = array<i64: 8, 128>}, {pipeline_mode = #tpu.pipeline_mode<synchronous>, transform_indices = @transform_2, window_bounds = array<i64: 8, 128>}, {pipeline_mode = #tpu.pipeline_mode<synchronous>, transform_indices = @transform_3, window_bounds = array<i64: 128>}, {pipeline_mode = #tpu.pipeline_mode<synchronous>, transform_indices = @transform_4, window_bounds = array<i64: 128>}, {pipeline_mode = #tpu.pipeline_mode<synchronous>, transform_indices = @transform_5, window_bounds = array<i64: 128, 128>}, {pipeline_mode = #tpu.pipeline_mode<synchronous>, transform_indices = @transform_6, window_bounds = array<i64: 128>}, {transform_indices = @transform_7, window_bounds = array<i64: 2048, 128>}, {pipeline_mode = #tpu.pipeline_mode<synchronous>, transform_indices = @transform_8, window_bounds = array<i64: 8, 128>}, {pipeline_mode = #tpu.pipeline_mode<synchronous>, transform_indices = @transform_9, window_bounds = array<i64: 8, 128>}]} {
    %get3A = arith.constant 0 : index
    %get3A_0 = arith.constant 0 : index
    %get3A_1 = vector.load %arg2[%get3A, %get3A_0] : memref<8x128xf32, #tpu.memory_space<vmem>>, vector<8x128xf32>
    %reduce_sum3A = arith.constant dense<0.000000e+00> : vector<128xf32>
    %reduce_sum3A_2 = vector.multi_reduction <add>, %get3A_1, %reduce_sum3A [0] : vector<8x128xf32> to vector<128xf32>
    %broadcast_in_dim3A = vector.shape_cast %reduce_sum3A_2 : vector<128xf32> to vector<1x128xf32>
    %div3A = arith.constant 1.310720e+05 : f32
    %div3A_3 = vector.broadcast %div3A : f32 to vector<1x128xf32>
    %div3A_4 = arith.divf %broadcast_in_dim3A, %div3A_3 : vector<1x128xf32>
    %get3A_5 = arith.constant 0 : index
    %get3A_6 = arith.constant 0 : index
    %get3A_7 = vector.load %arg3[%get3A_5, %get3A_6] : memref<8x128xf32, #tpu.memory_space<vmem>>, vector<8x128xf32>
    %reduce_sum3A_8 = arith.constant dense<0.000000e+00> : vector<128xf32>
    %reduce_sum3A_9 = vector.multi_reduction <add>, %get3A_7, %reduce_sum3A_8 [0] : vector<8x128xf32> to vector<128xf32>
    %broadcast_in_dim3A_10 = vector.shape_cast %reduce_sum3A_9 : vector<128xf32> to vector<1x128xf32>
    %div3A_11 = arith.constant 1.310720e+05 : f32
    %div3A_12 = vector.broadcast %div3A_11 : f32 to vector<1x128xf32>
    %div3A_13 = arith.divf %broadcast_in_dim3A_10, %div3A_12 : vector<1x128xf32>
    %mul3A = arith.mulf %div3A_4, %div3A_4 : vector<1x128xf32>
    %sub3A = arith.subf %div3A_13, %mul3A : vector<1x128xf32>
    %get3A_14 = arith.constant 0 : index
    %get3A_15 = vector.load %arg4[%get3A_14] : memref<128xf32, #tpu.memory_space<vmem>>, vector<128xf32>
    %broadcast_in_dim3A_16 = vector.shape_cast %get3A_15 : vector<128xf32> to vector<1x128xf32>
    %add3A = arith.constant 9.99999974E-6 : f32
    %add3A_17 = vector.broadcast %add3A : f32 to vector<1x128xf32>
    %add3A_18 = arith.addf %sub3A, %add3A_17 : vector<1x128xf32>
    %sqrt3A = math.sqrt %add3A_18 : vector<1x128xf32>
    %div3A_19 = arith.divf %broadcast_in_dim3A_16, %sqrt3A : vector<1x128xf32>
    %get3A_20 = arith.constant 0 : index
    %get3A_21 = vector.load %arg5[%get3A_20] : memref<128xf32, #tpu.memory_space<vmem>>, vector<128xf32>
    %broadcast_in_dim3A_22 = vector.shape_cast %get3A_21 : vector<128xf32> to vector<1x128xf32>
    %mul3A_23 = arith.mulf %div3A_4, %div3A_19 : vector<1x128xf32>
    %sub3A_24 = arith.subf %broadcast_in_dim3A_22, %mul3A_23 : vector<1x128xf32>
    %get3A_25 = arith.constant 0 : index
    %get3A_26 = arith.constant 0 : index
    %get3A_27 = vector.load %arg1[%get3A_25, %get3A_26] : memref<2048x128xf32, #tpu.memory_space<vmem>>, vector<2048x128xf32>
    %mul3A_28 = vector.broadcast %div3A_19 : vector<1x128xf32> to vector<2048x128xf32>
    %mul3A_29 = arith.mulf %get3A_27, %mul3A_28 : vector<2048x128xf32>
    %add3A_30 = vector.broadcast %sub3A_24 : vector<1x128xf32> to vector<2048x128xf32>
    %add3A_31 = arith.addf %mul3A_29, %add3A_30 : vector<2048x128xf32>
    %max3A = arith.constant 0.000000e+00 : f32
    %max3A_32 = vector.broadcast %max3A : f32 to vector<2048x128xf32>
    %max3A_33 = arith.maximumf %add3A_31, %max3A_32 : vector<2048x128xf32>
    %get3A_34 = arith.constant 0 : index
    %get3A_35 = arith.constant 0 : index
    %get3A_36 = vector.load %arg6[%get3A_34, %get3A_35] : memref<128x128xf32, #tpu.memory_space<vmem>>, vector<128x128xf32>
    %dot_general3A = arith.constant dense<0.000000e+00> : vector<2048x128xf32>
    %dot_general3A_37 = tpu.matmul %max3A_33, %get3A_36, %dot_general3A {dimension_numbers = #tpu.dot_dimension_numbers<[1], [1], [0], [0], [0, 0, 1, 0], [], []>, transpose_lhs_hint = false} : vector<2048x128xf32>, vector<128x128xf32>, vector<2048x128xf32> -> vector<2048x128xf32>
    %get3A_38 = arith.constant 0 : index
    %get3A_39 = vector.load %arg7[%get3A_38] : memref<128xf32, #tpu.memory_space<vmem>>, vector<128xf32>
    %broadcast_in_dim3A_40 = vector.shape_cast %get3A_39 : vector<128xf32> to vector<1x128xf32>
    %add3A_41 = vector.broadcast %broadcast_in_dim3A_40 : vector<1x128xf32> to vector<2048x128xf32>
    %add3A_42 = arith.addf %dot_general3A_37, %add3A_41 : vector<2048x128xf32>
    %swap3A = arith.constant 0 : index
    %swap3A_43 = arith.constant 0 : index
    %swap3A_44 = vector.load %arg8[%swap3A, %swap3A_43] : memref<2048x128xf32, #tpu.memory_space<vmem>>, vector<2048x128xf32>
    tpu.vector_store %arg8[%swap3A, %swap3A_43], %add3A_42 {strides = array<i32>} : memref<2048x128xf32, #tpu.memory_space<vmem>>, vector<2048x128xf32>,
    %reshape3A = vector.shape_cast %add3A_42 : vector<2048x128xf32> to vector<256x8x128xf32>
    %eq3A = arith.constant 0 : i32
    %eq3A_45 = arith.cmpi eq, %arg0, %eq3A : i32
    %convert_element_type3A = arith.extui %eq3A_45 : i1 to i32
    %cond3A = arith.constant 0 : i32
    %cond3A_46 = arith.cmpi ne, %convert_element_type3A, %cond3A : i32
    scf.if %cond3A_46 {
      %broadcast_in_dim3A_66 = arith.constant 0.000000e+00 : f32
      %broadcast_in_dim3A_67 = vector.broadcast %broadcast_in_dim3A_66 : f32 to vector<8x128xf32>
      %swap3A_68 = arith.constant 0 : index
      %swap3A_69 = arith.constant 0 : index
      %swap3A_70 = vector.load %arg9[%swap3A_68, %swap3A_69] : memref<8x128xf32, #tpu.memory_space<vmem>>, vector<8x128xf32>
      tpu.vector_store %arg9[%swap3A_68, %swap3A_69], %broadcast_in_dim3A_67 {strides = array<i32>} : memref<8x128xf32, #tpu.memory_space<vmem>>, vector<8x128xf32>,
      %broadcast_in_dim3A_71 = arith.constant 0.000000e+00 : f32
      %broadcast_in_dim3A_72 = vector.broadcast %broadcast_in_dim3A_71 : f32 to vector<8x128xf32>
      %swap3A_73 = arith.constant 0 : index
      %swap3A_74 = arith.constant 0 : index
      %swap3A_75 = vector.load %arg10[%swap3A_73, %swap3A_74] : memref<8x128xf32, #tpu.memory_space<vmem>>, vector<8x128xf32>
      tpu.vector_store %arg10[%swap3A_73, %swap3A_74], %broadcast_in_dim3A_72 {strides = array<i32>} : memref<8x128xf32, #tpu.memory_space<vmem>>, vector<8x128xf32>,
    } else {
    }
    %get3A_47 = arith.constant 0 : index
    %get3A_48 = arith.constant 0 : index
    %get3A_49 = vector.load %arg9[%get3A_47, %get3A_48] : memref<8x128xf32, #tpu.memory_space<vmem>>, vector<8x128xf32>
    %reduce_sum3A_50 = arith.constant dense<0.000000e+00> : vector<8x128xf32>
    %reduce_sum3A_51 = vector.multi_reduction <add>, %reshape3A, %reduce_sum3A_50 [0] : vector<256x8x128xf32> to vector<8x128xf32>
    %add3A_52 = arith.addf %get3A_49, %reduce_sum3A_51 : vector<8x128xf32>
    %swap3A_53 = arith.constant 0 : index
    %swap3A_54 = arith.constant 0 : index
    %swap3A_55 = vector.load %arg9[%swap3A_53, %swap3A_54] : memref<8x128xf32, #tpu.memory_space<vmem>>, vector<8x128xf32>
    tpu.vector_store %arg9[%swap3A_53, %swap3A_54], %add3A_52 {strides = array<i32>} : memref<8x128xf32, #tpu.memory_space<vmem>>, vector<8x128xf32>,
    %get3A_56 = arith.constant 0 : index
    %get3A_57 = arith.constant 0 : index
    %get3A_58 = vector.load %arg10[%get3A_56, %get3A_57] : memref<8x128xf32, #tpu.memory_space<vmem>>, vector<8x128xf32>
    %mul3A_59 = arith.mulf %reshape3A, %reshape3A : vector<256x8x128xf32>
    %reduce_sum3A_60 = arith.constant dense<0.000000e+00> : vector<8x128xf32>
    %reduce_sum3A_61 = vector.multi_reduction <add>, %mul3A_59, %reduce_sum3A_60 [0] : vector<256x8x128xf32> to vector<8x128xf32>
    %add3A_62 = arith.addf %get3A_58, %reduce_sum3A_61 : vector<8x128xf32>
    %swap3A_63 = arith.constant 0 : index
    %swap3A_64 = arith.constant 0 : index
    %swap3A_65 = vector.load %arg10[%swap3A_63, %swap3A_64] : memref<8x128xf32, #tpu.memory_space<vmem>>, vector<8x128xf32>
    tpu.vector_store %arg10[%swap3A_63, %swap3A_64], %add3A_62 {strides = array<i32>} : memref<8x128xf32, #tpu.memory_space<vmem>>, vector<8x128xf32>,
    return
  }
  func.func @transform_0(%arg0: i32) -> (i32, i32) {
    %c0_i32 = arith.constant 0 : i32
    %c0_i32_0 = arith.constant 0 : i32
    return %arg0, %c0_i32 : i32, i32
  }
  func.func @transform_1(%arg0: i32) -> (i32, i32) {
    %c0_i32 = arith.constant 0 : i32
    %c0_i32_0 = arith.constant 0 : i32
    %c0_i32_1 = arith.constant 0 : i32
    return %c0_i32, %c0_i32_0 : i32, i32
  }
  func.func @transform_2(%arg0: i32) -> (i32, i32) {
    %c0_i32 = arith.constant 0 : i32
    %c0_i32_0 = arith.constant 0 : i32
    %c0_i32_1 = arith.constant 0 : i32
    return %c0_i32, %c0_i32_0 : i32, i32
  }
  func.func @transform_3(%arg0: i32) -> i32 {
    %c0_i32 = arith.constant 0 : i32
    %c0_i32_0 = arith.constant 0 : i32
    return %c0_i32 : i32
  }
  func.func @transform_4(%arg0: i32) -> i32 {
    %c0_i32 = arith.constant 0 : i32
    %c0_i32_0 = arith.constant 0 : i32
    return %c0_i32 : i32
  }
  func.func @transform_5(%arg0: i32) -> (i32, i32) {
    %c0_i32 = arith.constant 0 : i32
    %c0_i32_0 = arith.constant 0 : i32
    %c0_i32_1 = arith.constant 0 : i32
    return %c0_i32, %c0_i32_0 : i32, i32
  }
  func.func @transform_6(%arg0: i32) -> i32 {
    %c0_i32 = arith.constant 0 : i32
    %c0_i32_0 = arith.constant 0 : i32
    return %c0_i32 : i32
  }
  func.func @transform_7(%arg0: i32) -> (i32, i32) {
    %c0_i32 = arith.constant 0 : i32
    %c0_i32_0 = arith.constant 0 : i32
    return %arg0, %c0_i32 : i32, i32
  }
  func.func @transform_8(%arg0: i32) -> (i32, i32) {
    %c0_i32 = arith.constant 0 : i32
    %c0_i32_0 = arith.constant 0 : i32
    %c0_i32_1 = arith.constant 0 : i32
    return %c0_i32, %c0_i32_0 : i32, i32
  }
  func.func @transform_9(%arg0: i32) -> (i32, i32) {
    %c0_i32 = arith.constant 0 : i32
    %c0_i32_0 = arith.constant 0 : i32
    %c0_i32_1 = arith.constant 0 : i32
    return %c0_i32, %c0_i32_0 : i32, i32
  }
}

module attributes {stable_mosaic.version = 14 : i64} {
  func.func @_pass3_kernel(%arg0: i32, %arg1: memref<2048x128xf32, #tpu.memory_space<vmem>>, %arg2: memref<8x128xf32, #tpu.memory_space<vmem>>, %arg3: memref<8x128xf32, #tpu.memory_space<vmem>>, %arg4: memref<128xf32, #tpu.memory_space<vmem>>, %arg5: memref<128xf32, #tpu.memory_space<vmem>>, %arg6: memref<256x128xf32, #tpu.memory_space<vmem>>, %arg7: memref<256xf32, #tpu.memory_space<vmem>>, %arg8: memref<64x256xf32, #tpu.memory_space<vmem>>, %arg9: memref<64x256xf32, #tpu.memory_space<vmem>>, %arg10: memref<8x256xf32, #tpu.memory_space<vmem>>, %arg11: memref<8x256xf32, #tpu.memory_space<vmem>>) attributes {dimension_semantics = [#tpu.dimension_semantics<arbitrary>], iteration_bounds = array<i64: 64>, scalar_prefetch = 0 : i64, scratch_operands = 0 : i64, tpu.core_type = #tpu.core_type<tc>, window_params = [{transform_indices = @transform_0, window_bounds = array<i64: 2048, 128>}, {pipeline_mode = #tpu.pipeline_mode<synchronous>, transform_indices = @transform_1, window_bounds = array<i64: 8, 128>}, {pipeline_mode = #tpu.pipeline_mode<synchronous>, transform_indices = @transform_2, window_bounds = array<i64: 8, 128>}, {pipeline_mode = #tpu.pipeline_mode<synchronous>, transform_indices = @transform_3, window_bounds = array<i64: 128>}, {pipeline_mode = #tpu.pipeline_mode<synchronous>, transform_indices = @transform_4, window_bounds = array<i64: 128>}, {pipeline_mode = #tpu.pipeline_mode<synchronous>, transform_indices = @transform_5, window_bounds = array<i64: 256, 128>}, {pipeline_mode = #tpu.pipeline_mode<synchronous>, transform_indices = @transform_6, window_bounds = array<i64: 256>}, {transform_indices = @transform_7, window_bounds = array<i64: 64, 256>}, {transform_indices = @transform_8, window_bounds = array<i64: 64, 256>}, {pipeline_mode = #tpu.pipeline_mode<synchronous>, transform_indices = @transform_9, window_bounds = array<i64: 8, 256>}, {pipeline_mode = #tpu.pipeline_mode<synchronous>, transform_indices = @transform_10, window_bounds = array<i64: 8, 256>}]} {
    %get3A = arith.constant 0 : index
    %get3A_0 = arith.constant 0 : index
    %get3A_1 = vector.load %arg2[%get3A, %get3A_0] : memref<8x128xf32, #tpu.memory_space<vmem>>, vector<8x128xf32>
    %reduce_sum3A = arith.constant dense<0.000000e+00> : vector<128xf32>
    %reduce_sum3A_2 = vector.multi_reduction <add>, %get3A_1, %reduce_sum3A [0] : vector<8x128xf32> to vector<128xf32>
    %broadcast_in_dim3A = vector.shape_cast %reduce_sum3A_2 : vector<128xf32> to vector<1x128xf32>
    %div3A = arith.constant 1.310720e+05 : f32
    %div3A_3 = vector.broadcast %div3A : f32 to vector<1x128xf32>
    %div3A_4 = arith.divf %broadcast_in_dim3A, %div3A_3 : vector<1x128xf32>
    %get3A_5 = arith.constant 0 : index
    %get3A_6 = arith.constant 0 : index
    %get3A_7 = vector.load %arg3[%get3A_5, %get3A_6] : memref<8x128xf32, #tpu.memory_space<vmem>>, vector<8x128xf32>
    %reduce_sum3A_8 = arith.constant dense<0.000000e+00> : vector<128xf32>
    %reduce_sum3A_9 = vector.multi_reduction <add>, %get3A_7, %reduce_sum3A_8 [0] : vector<8x128xf32> to vector<128xf32>
    %broadcast_in_dim3A_10 = vector.shape_cast %reduce_sum3A_9 : vector<128xf32> to vector<1x128xf32>
    %div3A_11 = arith.constant 1.310720e+05 : f32
    %div3A_12 = vector.broadcast %div3A_11 : f32 to vector<1x128xf32>
    %div3A_13 = arith.divf %broadcast_in_dim3A_10, %div3A_12 : vector<1x128xf32>
    %mul3A = arith.mulf %div3A_4, %div3A_4 : vector<1x128xf32>
    %sub3A = arith.subf %div3A_13, %mul3A : vector<1x128xf32>
    %get3A_14 = arith.constant 0 : index
    %get3A_15 = vector.load %arg4[%get3A_14] : memref<128xf32, #tpu.memory_space<vmem>>, vector<128xf32>
    %broadcast_in_dim3A_16 = vector.shape_cast %get3A_15 : vector<128xf32> to vector<1x128xf32>
    %add3A = arith.constant 9.99999974E-6 : f32
    %add3A_17 = vector.broadcast %add3A : f32 to vector<1x128xf32>
    %add3A_18 = arith.addf %sub3A, %add3A_17 : vector<1x128xf32>
    %sqrt3A = math.sqrt %add3A_18 : vector<1x128xf32>
    %div3A_19 = arith.divf %broadcast_in_dim3A_16, %sqrt3A : vector<1x128xf32>
    %get3A_20 = arith.constant 0 : index
    %get3A_21 = vector.load %arg5[%get3A_20] : memref<128xf32, #tpu.memory_space<vmem>>, vector<128xf32>
    %broadcast_in_dim3A_22 = vector.shape_cast %get3A_21 : vector<128xf32> to vector<1x128xf32>
    %mul3A_23 = arith.mulf %div3A_4, %div3A_19 : vector<1x128xf32>
    %sub3A_24 = arith.subf %broadcast_in_dim3A_22, %mul3A_23 : vector<1x128xf32>
    %get3A_25 = arith.constant 0 : index
    %get3A_26 = arith.constant 0 : index
    %get3A_27 = vector.load %arg1[%get3A_25, %get3A_26] : memref<2048x128xf32, #tpu.memory_space<vmem>>, vector<2048x128xf32>
    %mul3A_28 = vector.broadcast %div3A_19 : vector<1x128xf32> to vector<2048x128xf32>
    %mul3A_29 = arith.mulf %get3A_27, %mul3A_28 : vector<2048x128xf32>
    %add3A_30 = vector.broadcast %sub3A_24 : vector<1x128xf32> to vector<2048x128xf32>
    %add3A_31 = arith.addf %mul3A_29, %add3A_30 : vector<2048x128xf32>
    %max3A = arith.constant 0.000000e+00 : f32
    %max3A_32 = vector.broadcast %max3A : f32 to vector<2048x128xf32>
    %max3A_33 = arith.maximumf %add3A_31, %max3A_32 : vector<2048x128xf32>
    %get3A_34 = arith.constant 0 : index
    %get3A_35 = arith.constant 0 : index
    %get3A_36 = vector.load %arg6[%get3A_34, %get3A_35] : memref<256x128xf32, #tpu.memory_space<vmem>>, vector<256x128xf32>
    %dot_general3A = arith.constant dense<0.000000e+00> : vector<2048x256xf32>
    %dot_general3A_37 = tpu.matmul %max3A_33, %get3A_36, %dot_general3A {dimension_numbers = #tpu.dot_dimension_numbers<[1], [1], [0], [0], [0, 0, 1, 0], [], []>, transpose_lhs_hint = false} : vector<2048x128xf32>, vector<256x128xf32>, vector<2048x256xf32> -> vector<2048x256xf32>
    %get3A_38 = arith.constant 0 : index
    %get3A_39 = vector.load %arg7[%get3A_38] : memref<256xf32, #tpu.memory_space<vmem>>, vector<256xf32>
    %broadcast_in_dim3A_40 = vector.shape_cast %get3A_39 : vector<256xf32> to vector<1x256xf32>
    %add3A_41 = vector.broadcast %broadcast_in_dim3A_40 : vector<1x256xf32> to vector<2048x256xf32>
    %add3A_42 = arith.addf %dot_general3A_37, %add3A_41 : vector<2048x256xf32>
    %reshape3A = vector.shape_cast %add3A_42 : vector<2048x256xf32> to vector<64x32x256xf32>
    %reduce_max3A = arith.constant dense<0xFF800000> : vector<64x256xf32>
    %reduce_max3A_43 = vector.multi_reduction <maximumf>, %reshape3A, %reduce_max3A [1] : vector<64x32x256xf32> to vector<64x256xf32>
    %swap3A = arith.constant 0 : index
    %swap3A_44 = arith.constant 0 : index
    %swap3A_45 = vector.load %arg8[%swap3A, %swap3A_44] : memref<64x256xf32, #tpu.memory_space<vmem>>, vector<64x256xf32>
    tpu.vector_store %arg8[%swap3A, %swap3A_44], %reduce_max3A_43 {strides = array<i32>} : memref<64x256xf32, #tpu.memory_space<vmem>>, vector<64x256xf32>,
    %reduce_min3A = arith.constant dense<0x7F800000> : vector<64x256xf32>
    %reduce_min3A_46 = vector.multi_reduction <minimumf>, %reshape3A, %reduce_min3A [1] : vector<64x32x256xf32> to vector<64x256xf32>
    %swap3A_47 = arith.constant 0 : index
    %swap3A_48 = arith.constant 0 : index
    %swap3A_49 = vector.load %arg9[%swap3A_47, %swap3A_48] : memref<64x256xf32, #tpu.memory_space<vmem>>, vector<64x256xf32>
    tpu.vector_store %arg9[%swap3A_47, %swap3A_48], %reduce_min3A_46 {strides = array<i32>} : memref<64x256xf32, #tpu.memory_space<vmem>>, vector<64x256xf32>,
    %reshape3A_50 = vector.shape_cast %add3A_42 : vector<2048x256xf32> to vector<256x8x256xf32>
    %eq3A = arith.constant 0 : i32
    %eq3A_51 = arith.cmpi eq, %arg0, %eq3A : i32
    %convert_element_type3A = arith.extui %eq3A_51 : i1 to i32
    %cond3A = arith.constant 0 : i32
    %cond3A_52 = arith.cmpi ne, %convert_element_type3A, %cond3A : i32
    scf.if %cond3A_52 {
      %broadcast_in_dim3A_72 = arith.constant 0.000000e+00 : f32
      %broadcast_in_dim3A_73 = vector.broadcast %broadcast_in_dim3A_72 : f32 to vector<8x256xf32>
      %swap3A_74 = arith.constant 0 : index
      %swap3A_75 = arith.constant 0 : index
      %swap3A_76 = vector.load %arg10[%swap3A_74, %swap3A_75] : memref<8x256xf32, #tpu.memory_space<vmem>>, vector<8x256xf32>
      tpu.vector_store %arg10[%swap3A_74, %swap3A_75], %broadcast_in_dim3A_73 {strides = array<i32>} : memref<8x256xf32, #tpu.memory_space<vmem>>, vector<8x256xf32>,
      %broadcast_in_dim3A_77 = arith.constant 0.000000e+00 : f32
      %broadcast_in_dim3A_78 = vector.broadcast %broadcast_in_dim3A_77 : f32 to vector<8x256xf32>
      %swap3A_79 = arith.constant 0 : index
      %swap3A_80 = arith.constant 0 : index
      %swap3A_81 = vector.load %arg11[%swap3A_79, %swap3A_80] : memref<8x256xf32, #tpu.memory_space<vmem>>, vector<8x256xf32>
      tpu.vector_store %arg11[%swap3A_79, %swap3A_80], %broadcast_in_dim3A_78 {strides = array<i32>} : memref<8x256xf32, #tpu.memory_space<vmem>>, vector<8x256xf32>,
    } else {
    }
    %get3A_53 = arith.constant 0 : index
    %get3A_54 = arith.constant 0 : index
    %get3A_55 = vector.load %arg10[%get3A_53, %get3A_54] : memref<8x256xf32, #tpu.memory_space<vmem>>, vector<8x256xf32>
    %reduce_sum3A_56 = arith.constant dense<0.000000e+00> : vector<8x256xf32>
    %reduce_sum3A_57 = vector.multi_reduction <add>, %reshape3A_50, %reduce_sum3A_56 [0] : vector<256x8x256xf32> to vector<8x256xf32>
    %add3A_58 = arith.addf %get3A_55, %reduce_sum3A_57 : vector<8x256xf32>
    %swap3A_59 = arith.constant 0 : index
    %swap3A_60 = arith.constant 0 : index
    %swap3A_61 = vector.load %arg10[%swap3A_59, %swap3A_60] : memref<8x256xf32, #tpu.memory_space<vmem>>, vector<8x256xf32>
    tpu.vector_store %arg10[%swap3A_59, %swap3A_60], %add3A_58 {strides = array<i32>} : memref<8x256xf32, #tpu.memory_space<vmem>>, vector<8x256xf32>,
    %get3A_62 = arith.constant 0 : index
    %get3A_63 = arith.constant 0 : index
    %get3A_64 = vector.load %arg11[%get3A_62, %get3A_63] : memref<8x256xf32, #tpu.memory_space<vmem>>, vector<8x256xf32>
    %mul3A_65 = arith.mulf %reshape3A_50, %reshape3A_50 : vector<256x8x256xf32>
    %reduce_sum3A_66 = arith.constant dense<0.000000e+00> : vector<8x256xf32>
    %reduce_sum3A_67 = vector.multi_reduction <add>, %mul3A_65, %reduce_sum3A_66 [0] : vector<256x8x256xf32> to vector<8x256xf32>
    %add3A_68 = arith.addf %get3A_64, %reduce_sum3A_67 : vector<8x256xf32>
    %swap3A_69 = arith.constant 0 : index
    %swap3A_70 = arith.constant 0 : index
    %swap3A_71 = vector.load %arg11[%swap3A_69, %swap3A_70] : memref<8x256xf32, #tpu.memory_space<vmem>>, vector<8x256xf32>
    tpu.vector_store %arg11[%swap3A_69, %swap3A_70], %add3A_68 {strides = array<i32>} : memref<8x256xf32, #tpu.memory_space<vmem>>, vector<8x256xf32>,
    return
  }
  func.func @transform_0(%arg0: i32) -> (i32, i32) {
    %c0_i32 = arith.constant 0 : i32
    %c0_i32_0 = arith.constant 0 : i32
    return %arg0, %c0_i32 : i32, i32
  }
  func.func @transform_1(%arg0: i32) -> (i32, i32) {
    %c0_i32 = arith.constant 0 : i32
    %c0_i32_0 = arith.constant 0 : i32
    %c0_i32_1 = arith.constant 0 : i32
    return %c0_i32, %c0_i32_0 : i32, i32
  }
  func.func @transform_2(%arg0: i32) -> (i32, i32) {
    %c0_i32 = arith.constant 0 : i32
    %c0_i32_0 = arith.constant 0 : i32
    %c0_i32_1 = arith.constant 0 : i32
    return %c0_i32, %c0_i32_0 : i32, i32
  }
  func.func @transform_3(%arg0: i32) -> i32 {
    %c0_i32 = arith.constant 0 : i32
    %c0_i32_0 = arith.constant 0 : i32
    return %c0_i32 : i32
  }
  func.func @transform_4(%arg0: i32) -> i32 {
    %c0_i32 = arith.constant 0 : i32
    %c0_i32_0 = arith.constant 0 : i32
    return %c0_i32 : i32
  }
  func.func @transform_5(%arg0: i32) -> (i32, i32) {
    %c0_i32 = arith.constant 0 : i32
    %c0_i32_0 = arith.constant 0 : i32
    %c0_i32_1 = arith.constant 0 : i32
    return %c0_i32, %c0_i32_0 : i32, i32
  }
  func.func @transform_6(%arg0: i32) -> i32 {
    %c0_i32 = arith.constant 0 : i32
    %c0_i32_0 = arith.constant 0 : i32
    return %c0_i32 : i32
  }
  func.func @transform_7(%arg0: i32) -> (i32, i32) {
    %c0_i32 = arith.constant 0 : i32
    %c0_i32_0 = arith.constant 0 : i32
    return %arg0, %c0_i32 : i32, i32
  }
  func.func @transform_8(%arg0: i32) -> (i32, i32) {
    %c0_i32 = arith.constant 0 : i32
    %c0_i32_0 = arith.constant 0 : i32
    return %arg0, %c0_i32 : i32, i32
  }
  func.func @transform_9(%arg0: i32) -> (i32, i32) {
    %c0_i32 = arith.constant 0 : i32
    %c0_i32_0 = arith.constant 0 : i32
    %c0_i32_1 = arith.constant 0 : i32
    return %c0_i32, %c0_i32_0 : i32, i32
  }
  func.func @transform_10(%arg0: i32) -> (i32, i32) {
    %c0_i32 = arith.constant 0 : i32
    %c0_i32_0 = arith.constant 0 : i32
    %c0_i32_1 = arith.constant 0 : i32
    return %c0_i32, %c0_i32_0 : i32, i32
  }
}

module attributes {stable_mosaic.version = 14 : i64} {
  func.func @_attn_kernel(%arg0: i32, %arg1: memref<1x1024x256xf32, #tpu.memory_space<vmem>>, %arg2: memref<1x1024x256xf32, #tpu.memory_space<vmem>>, %arg3: memref<8x256xf32, #tpu.memory_space<vmem>>, %arg4: memref<8x256xf32, #tpu.memory_space<vmem>>, %arg5: memref<256xf32, #tpu.memory_space<vmem>>, %arg6: memref<256xf32, #tpu.memory_space<vmem>>, %arg7: memref<256x256xf32, #tpu.memory_space<vmem>>, %arg8: memref<256xf32, #tpu.memory_space<vmem>>, %arg9: memref<256x256xf32, #tpu.memory_space<vmem>>, %arg10: memref<256xf32, #tpu.memory_space<vmem>>, %arg11: memref<256x256xf32, #tpu.memory_space<vmem>>, %arg12: memref<256xf32, #tpu.memory_space<vmem>>, %arg13: memref<3x256x256xf32, #tpu.memory_space<vmem>>, %arg14: memref<3x256xf32, #tpu.memory_space<vmem>>, %arg15: memref<256xf32, #tpu.memory_space<vmem>>, %arg16: memref<256xf32, #tpu.memory_space<vmem>>, %arg17: memref<1x1024x256xf32, #tpu.memory_space<vmem>>) attributes {dimension_semantics = [#tpu.dimension_semantics<arbitrary>], iteration_bounds = array<i64: 4>, scalar_prefetch = 0 : i64, scratch_operands = 0 : i64, tpu.core_type = #tpu.core_type<tc>, window_params = [{transform_indices = @transform_0, window_bounds = array<i64: 1, 1024, 256>}, {transform_indices = @transform_1, window_bounds = array<i64: 1, 1024, 256>}, {pipeline_mode = #tpu.pipeline_mode<synchronous>, transform_indices = @transform_2, window_bounds = array<i64: 8, 256>}, {pipeline_mode = #tpu.pipeline_mode<synchronous>, transform_indices = @transform_3, window_bounds = array<i64: 8, 256>}, {pipeline_mode = #tpu.pipeline_mode<synchronous>, transform_indices = @transform_4, window_bounds = array<i64: 256>}, {pipeline_mode = #tpu.pipeline_mode<synchronous>, transform_indices = @transform_5, window_bounds = array<i64: 256>}, {pipeline_mode = #tpu.pipeline_mode<synchronous>, transform_indices = @transform_6, window_bounds = array<i64: 256, 256>}, {pipeline_mode = #tpu.pipeline_mode<synchronous>, transform_indices = @transform_7, window_bounds = array<i64: 256>}, {pipeline_mode = #tpu.pipeline_mode<synchronous>, transform_indices = @transform_8, window_bounds = array<i64: 256, 256>}, {pipeline_mode = #tpu.pipeline_mode<synchronous>, transform_indices = @transform_9, window_bounds = array<i64: 256>}, {pipeline_mode = #tpu.pipeline_mode<synchronous>, transform_indices = @transform_10, window_bounds = array<i64: 256, 256>}, {pipeline_mode = #tpu.pipeline_mode<synchronous>, transform_indices = @transform_11, window_bounds = array<i64: 256>}, {pipeline_mode = #tpu.pipeline_mode<synchronous>, transform_indices = @transform_12, window_bounds = array<i64: 3, 256, 256>}, {pipeline_mode = #tpu.pipeline_mode<synchronous>, transform_indices = @transform_13, window_bounds = array<i64: 3, 256>}, {pipeline_mode = #tpu.pipeline_mode<synchronous>, transform_indices = @transform_14, window_bounds = array<i64: 256>}, {pipeline_mode = #tpu.pipeline_mode<synchronous>, transform_indices = @transform_15, window_bounds = array<i64: 256>}, {transform_indices = @transform_16, window_bounds = array<i64: 1, 1024, 256>}]} {
    %get3A = arith.constant 0 : index
    %get3A_0 = arith.constant 0 : index
    %get3A_1 = vector.load %arg3[%get3A, %get3A_0] : memref<8x256xf32, #tpu.memory_space<vmem>>, vector<8x256xf32>
    %reduce_sum3A = arith.constant dense<0.000000e+00> : vector<256xf32>
    %reduce_sum3A_2 = vector.multi_reduction <add>, %get3A_1, %reduce_sum3A [0] : vector<8x256xf32> to vector<256xf32>
    %broadcast_in_dim3A = vector.shape_cast %reduce_sum3A_2 : vector<256xf32> to vector<1x256xf32>
    %div3A = arith.constant 1.310720e+05 : f32
    %div3A_3 = vector.broadcast %div3A : f32 to vector<1x256xf32>
    %div3A_4 = arith.divf %broadcast_in_dim3A, %div3A_3 : vector<1x256xf32>
    %get3A_5 = arith.constant 0 : index
    %get3A_6 = arith.constant 0 : index
    %get3A_7 = vector.load %arg4[%get3A_5, %get3A_6] : memref<8x256xf32, #tpu.memory_space<vmem>>, vector<8x256xf32>
    %reduce_sum3A_8 = arith.constant dense<0.000000e+00> : vector<256xf32>
    %reduce_sum3A_9 = vector.multi_reduction <add>, %get3A_7, %reduce_sum3A_8 [0] : vector<8x256xf32> to vector<256xf32>
    %broadcast_in_dim3A_10 = vector.shape_cast %reduce_sum3A_9 : vector<256xf32> to vector<1x256xf32>
    %div3A_11 = arith.constant 1.310720e+05 : f32
    %div3A_12 = vector.broadcast %div3A_11 : f32 to vector<1x256xf32>
    %div3A_13 = arith.divf %broadcast_in_dim3A_10, %div3A_12 : vector<1x256xf32>
    %mul3A = arith.mulf %div3A_4, %div3A_4 : vector<1x256xf32>
    %sub3A = arith.subf %div3A_13, %mul3A : vector<1x256xf32>
    %get3A_14 = arith.constant 0 : index
    %get3A_15 = vector.load %arg5[%get3A_14] : memref<256xf32, #tpu.memory_space<vmem>>, vector<256xf32>
    %broadcast_in_dim3A_16 = vector.shape_cast %get3A_15 : vector<256xf32> to vector<1x256xf32>
    %add3A = arith.constant 9.99999974E-6 : f32
    %add3A_17 = vector.broadcast %add3A : f32 to vector<1x256xf32>
    %add3A_18 = arith.addf %sub3A, %add3A_17 : vector<1x256xf32>
    %sqrt3A = math.sqrt %add3A_18 : vector<1x256xf32>
    %div3A_19 = arith.divf %broadcast_in_dim3A_16, %sqrt3A : vector<1x256xf32>
    %get3A_20 = arith.constant 0 : index
    %get3A_21 = vector.load %arg6[%get3A_20] : memref<256xf32, #tpu.memory_space<vmem>>, vector<256xf32>
    %broadcast_in_dim3A_22 = vector.shape_cast %get3A_21 : vector<256xf32> to vector<1x256xf32>
    %mul3A_23 = arith.mulf %div3A_4, %div3A_19 : vector<1x256xf32>
    %sub3A_24 = arith.subf %broadcast_in_dim3A_22, %mul3A_23 : vector<1x256xf32>
    %ge3A = arith.constant 0.000000e+00 : f32
    %ge3A_25 = vector.broadcast %ge3A : f32 to vector<1x256xf32>
    %ge3A_26 = arith.cmpf oge, %div3A_19, %ge3A_25 : vector<1x256xf32>
    %get3A_27 = arith.constant 0 : index
    %get3A_28 = arith.constant 0 : index
    %get3A_29 = arith.constant 0 : index
    %get3A_30 = vector.load %arg1[%get3A_27, %get3A_28, %get3A_29] : memref<1x1024x256xf32, #tpu.memory_space<vmem>>, vector<1x1024x256xf32>
    %get3A_31 = vector.shape_cast %get3A_30 : vector<1x1024x256xf32> to vector<1024x256xf32>
    %mul3A_32 = vector.broadcast %div3A_19 : vector<1x256xf32> to vector<1024x256xf32>
    %mul3A_33 = arith.mulf %get3A_31, %mul3A_32 : vector<1024x256xf32>
    %add3A_34 = vector.broadcast %sub3A_24 : vector<1x256xf32> to vector<1024x256xf32>
    %add3A_35 = arith.addf %mul3A_33, %add3A_34 : vector<1024x256xf32>
    %get3A_36 = arith.constant 0 : index
    %get3A_37 = arith.constant 0 : index
    %get3A_38 = arith.constant 0 : index
    %get3A_39 = vector.load %arg2[%get3A_36, %get3A_37, %get3A_38] : memref<1x1024x256xf32, #tpu.memory_space<vmem>>, vector<1x1024x256xf32>
    %get3A_40 = vector.shape_cast %get3A_39 : vector<1x1024x256xf32> to vector<1024x256xf32>
    %mul3A_41 = vector.broadcast %div3A_19 : vector<1x256xf32> to vector<1024x256xf32>
    %mul3A_42 = arith.mulf %get3A_40, %mul3A_41 : vector<1024x256xf32>
    %add3A_43 = vector.broadcast %sub3A_24 : vector<1x256xf32> to vector<1024x256xf32>
    %add3A_44 = arith.addf %mul3A_42, %add3A_43 : vector<1024x256xf32>
    %broadcast_in_dim3A_45 = vector.shape_cast %ge3A_26 : vector<1x256xi1> to vector<1x256xi1>
    %broadcast_in_dim3A_46 = vector.broadcast %broadcast_in_dim3A_45 : vector<1x256xi1> to vector<1024x256xi1>
    %select_n3A = arith.select %broadcast_in_dim3A_46, %add3A_35, %add3A_44 : vector<1024x256xi1>, vector<1024x256xf32>
    %broadcast_in_dim3A_47 = arith.constant 0.000000e+00 : f32
    %broadcast_in_dim3A_48 = vector.broadcast %broadcast_in_dim3A_47 : f32 to vector<1024x256xf32>
    %iota3A = tpu.iota {dimensions = array<i32: 0>} : vector<256x1024xi32>
    %iota3A_49 = tpu.iota {dimensions = array<i32: 1>} : vector<256x1024xi32>
    %jit3A = arith.constant 4 : i32
    %div3A_50 = vector.broadcast %jit3A : i32 to vector<256x1024xi32>
    %div3A_51 = arith.divsi %iota3A_49, %div3A_50 : vector<256x1024xi32>
    %sign3A = arith.constant 0 : i32
    %sign3A_52 = vector.broadcast %sign3A : i32 to vector<256x1024xi32>
    %sign3A_53 = arith.cmpi sgt, %iota3A_49, %sign3A_52 : vector<256x1024xi32>
    %sign3A_54 = arith.extui %sign3A_53 : vector<256x1024xi1> to vector<256x1024xi32>
    %sign3A_55 = arith.constant 0 : i32
    %sign3A_56 = vector.broadcast %sign3A_55 : i32 to vector<256x1024xi32>
    %sign3A_57 = arith.cmpi slt, %iota3A_49, %sign3A_56 : vector<256x1024xi32>
    %sign3A_58 = arith.extui %sign3A_57 : vector<256x1024xi1> to vector<256x1024xi32>
    %sign3A_59 = arith.subi %sign3A_54, %sign3A_58 : vector<256x1024xi32>
    %sign3A_60 = arith.constant 0 : i32
    %sign3A_61 = arith.cmpi sgt, %jit3A, %sign3A_60 : i32
    %sign3A_62 = arith.extui %sign3A_61 : i1 to i32
    %sign3A_63 = arith.constant 0 : i32
    %sign3A_64 = arith.cmpi slt, %jit3A, %sign3A_63 : i32
    %sign3A_65 = arith.extui %sign3A_64 : i1 to i32
    %sign3A_66 = arith.subi %sign3A_62, %sign3A_65 : i32
    %ne3A = vector.broadcast %sign3A_66 : i32 to vector<256x1024xi32>
    %ne3A_67 = arith.cmpi ne, %sign3A_59, %ne3A : vector<256x1024xi32>
    %rem3A = vector.broadcast %jit3A : i32 to vector<256x1024xi32>
    %rem3A_68 = arith.remsi %iota3A_49, %rem3A : vector<256x1024xi32>
    %ne3A_69 = arith.constant 0 : i32
    %ne3A_70 = vector.broadcast %ne3A_69 : i32 to vector<256x1024xi32>
    %ne3A_71 = arith.cmpi ne, %rem3A_68, %ne3A_70 : vector<256x1024xi32>
    %and3A = arith.andi %ne3A_67, %ne3A_71 : vector<256x1024xi1>
    %sub3A_72 = arith.constant 1 : i32
    %sub3A_73 = vector.broadcast %sub3A_72 : i32 to vector<256x1024xi32>
    %sub3A_74 = arith.subi %div3A_51, %sub3A_73 : vector<256x1024xi32>
    %select_n3A_75 = arith.select %and3A, %sub3A_74, %div3A_51 : vector<256x1024xi1>, vector<256x1024xi32>
    %eq3A = arith.cmpi eq, %select_n3A_75, %iota3A : vector<256x1024xi32>
    %jit3A_76 = arith.constant 2.500000e-01 : f32
    %jit3A_77 = arith.constant 0.000000e+00 : f32
    %broadcast_in_dim3A_78 = vector.broadcast %jit3A_76 : f32 to vector<256x1024xf32>
    %broadcast_in_dim3A_79 = vector.broadcast %jit3A_77 : f32 to vector<256x1024xf32>
    %select_n3A_80 = arith.select %eq3A, %broadcast_in_dim3A_78, %broadcast_in_dim3A_79 : vector<256x1024xi1>, vector<256x1024xf32>
    %dot_general3A = arith.constant dense<0.000000e+00> : vector<256x256xf32>
    %dot_general3A_81 = tpu.matmul %select_n3A_80, %select_n3A, %dot_general3A {dimension_numbers = #tpu.dot_dimension_numbers<[1], [0], [0], [1], [0, 0, 1, 1], [], []>, transpose_lhs_hint = false} : vector<256x1024xf32>, vector<1024x256xf32>, vector<256x256xf32> -> vector<256x256xf32>
    %get3A_82 = arith.constant 0 : index
    %get3A_83 = arith.constant 0 : index
    %get3A_84 = vector.load %arg7[%get3A_82, %get3A_83] : memref<256x256xf32, #tpu.memory_space<vmem>>, vector<256x256xf32>
    %dot_general3A_85 = arith.constant dense<0.000000e+00> : vector<256x256xf32>
    %dot_general3A_86 = tpu.matmul %dot_general3A_81, %get3A_84, %dot_general3A_85 {dimension_numbers = #tpu.dot_dimension_numbers<[1], [1], [0], [0], [0, 0, 1, 0], [], []>, transpose_lhs_hint = false} : vector<256x256xf32>, vector<256x256xf32>, vector<256x256xf32> -> vector<256x256xf32>
    %get3A_87 = arith.constant 0 : index
    %get3A_88 = vector.load %arg8[%get3A_87] : memref<256xf32, #tpu.memory_space<vmem>>, vector<256xf32>
    %broadcast_in_dim3A_89 = vector.shape_cast %get3A_88 : vector<256xf32> to vector<1x256xf32>
    %add3A_90 = vector.broadcast %broadcast_in_dim3A_89 : vector<1x256xf32> to vector<256x256xf32>
    %add3A_91 = arith.addf %dot_general3A_86, %add3A_90 : vector<256x256xf32>
    %get3A_92 = arith.constant 0 : index
    %get3A_93 = arith.constant 0 : index
    %get3A_94 = vector.load %arg9[%get3A_92, %get3A_93] : memref<256x256xf32, #tpu.memory_space<vmem>>, vector<256x256xf32>
    %dot_general3A_95 = arith.constant dense<0.000000e+00> : vector<256x256xf32>
    %dot_general3A_96 = tpu.matmul %dot_general3A_81, %get3A_94, %dot_general3A_95 {dimension_numbers = #tpu.dot_dimension_numbers<[1], [1], [0], [0], [0, 0, 1, 0], [], []>, transpose_lhs_hint = false} : vector<256x256xf32>, vector<256x256xf32>, vector<256x256xf32> -> vector<256x256xf32>
    %get3A_97 = arith.constant 0 : index
    %get3A_98 = vector.load %arg10[%get3A_97] : memref<256xf32, #tpu.memory_space<vmem>>, vector<256xf32>
    %broadcast_in_dim3A_99 = vector.shape_cast %get3A_98 : vector<256xf32> to vector<1x256xf32>
    %add3A_100 = vector.broadcast %broadcast_in_dim3A_99 : vector<1x256xf32> to vector<256x256xf32>
    %add3A_101 = arith.addf %dot_general3A_96, %add3A_100 : vector<256x256xf32>
    %get3A_102 = arith.constant 0 : index
    %get3A_103 = arith.constant 0 : index
    %get3A_104 = vector.load %arg11[%get3A_102, %get3A_103] : memref<256x256xf32, #tpu.memory_space<vmem>>, vector<256x256xf32>
    %dot_general3A_105 = arith.constant dense<0.000000e+00> : vector<256x256xf32>
    %dot_general3A_106 = tpu.matmul %dot_general3A_81, %get3A_104, %dot_general3A_105 {dimension_numbers = #tpu.dot_dimension_numbers<[1], [1], [0], [0], [0, 0, 1, 0], [], []>, transpose_lhs_hint = false} : vector<256x256xf32>, vector<256x256xf32>, vector<256x256xf32> -> vector<256x256xf32>
    %get3A_107 = arith.constant 0 : index
    %get3A_108 = vector.load %arg12[%get3A_107] : memref<256xf32, #tpu.memory_space<vmem>>, vector<256xf32>
    %broadcast_in_dim3A_109 = vector.shape_cast %get3A_108 : vector<256xf32> to vector<1x256xf32>
    %add3A_110 = vector.broadcast %broadcast_in_dim3A_109 : vector<1x256xf32> to vector<256x256xf32>
    %add3A_111 = arith.addf %dot_general3A_106, %add3A_110 : vector<256x256xf32>
    %slice3A = vector.extract_strided_slice %add3A_91 {offsets = [0, 0], sizes = [256, 64], strides = [1, 1]} : vector<256x256xf32> to vector<256x64xf32>
    %slice3A_112 = vector.extract_strided_slice %add3A_101 {offsets = [0, 0], sizes = [256, 64], strides = [1, 1]} : vector<256x256xf32> to vector<256x64xf32>
    %slice3A_113 = vector.extract_strided_slice %add3A_111 {offsets = [0, 0], sizes = [256, 64], strides = [1, 1]} : vector<256x256xf32> to vector<256x64xf32>
    %dot_general3A_114 = arith.constant dense<0.000000e+00> : vector<256x256xf32>
    %dot_general3A_115 = tpu.matmul %slice3A, %slice3A_112, %dot_general3A_114 {dimension_numbers = #tpu.dot_dimension_numbers<[1], [1], [0], [0], [0, 0, 1, 0], [], []>, transpose_lhs_hint = false} : vector<256x64xf32>, vector<256x64xf32>, vector<256x256xf32> -> vector<256x256xf32>
    %div3A_116 = arith.constant 8.000000e+00 : f32
    %div3A_117 = vector.broadcast %div3A_116 : f32 to vector<256x256xf32>
    %div3A_118 = arith.divf %dot_general3A_115, %div3A_117 : vector<256x256xf32>
    %reduce_max3A = arith.constant dense<0xFF800000> : vector<256xf32>
    %reduce_max3A_119 = vector.multi_reduction <maximumf>, %div3A_118, %reduce_max3A [1] : vector<256x256xf32> to vector<256xf32>
    %broadcast_in_dim3A_120 = vector.shape_cast %reduce_max3A_119 : vector<256xf32> to vector<256x1xf32>
    %sub3A_121 = vector.broadcast %broadcast_in_dim3A_120 : vector<256x1xf32> to vector<256x256xf32>
    %sub3A_122 = arith.subf %div3A_118, %sub3A_121 : vector<256x256xf32>
    %exp3A = math.exp %sub3A_122 : vector<256x256xf32>
    %reduce_sum3A_123 = arith.constant dense<0.000000e+00> : vector<256xf32>
    %reduce_sum3A_124 = vector.multi_reduction <add>, %exp3A, %reduce_sum3A_123 [1] : vector<256x256xf32> to vector<256xf32>
    %broadcast_in_dim3A_125 = vector.shape_cast %reduce_sum3A_124 : vector<256xf32> to vector<256x1xf32>
    %div3A_126 = vector.broadcast %broadcast_in_dim3A_125 : vector<256x1xf32> to vector<256x256xf32>
    %div3A_127 = arith.divf %exp3A, %div3A_126 : vector<256x256xf32>
    %dot_general3A_128 = arith.constant dense<0.000000e+00> : vector<256x64xf32>
    %dot_general3A_129 = tpu.matmul %div3A_127, %slice3A_113, %dot_general3A_128 {dimension_numbers = #tpu.dot_dimension_numbers<[1], [0], [0], [1], [0, 0, 1, 1], [], []>, transpose_lhs_hint = false} : vector<256x256xf32>, vector<256x64xf32>, vector<256x64xf32> -> vector<256x64xf32>
    %slice3A_130 = vector.extract_strided_slice %add3A_91 {offsets = [0, 64], sizes = [256, 64], strides = [1, 1]} : vector<256x256xf32> to vector<256x64xf32>
    %slice3A_131 = vector.extract_strided_slice %add3A_101 {offsets = [0, 64], sizes = [256, 64], strides = [1, 1]} : vector<256x256xf32> to vector<256x64xf32>
    %slice3A_132 = vector.extract_strided_slice %add3A_111 {offsets = [0, 64], sizes = [256, 64], strides = [1, 1]} : vector<256x256xf32> to vector<256x64xf32>
    %dot_general3A_133 = arith.constant dense<0.000000e+00> : vector<256x256xf32>
    %dot_general3A_134 = tpu.matmul %slice3A_130, %slice3A_131, %dot_general3A_133 {dimension_numbers = #tpu.dot_dimension_numbers<[1], [1], [0], [0], [0, 0, 1, 0], [], []>, transpose_lhs_hint = false} : vector<256x64xf32>, vector<256x64xf32>, vector<256x256xf32> -> vector<256x256xf32>
    %div3A_135 = arith.constant 8.000000e+00 : f32
    %div3A_136 = vector.broadcast %div3A_135 : f32 to vector<256x256xf32>
    %div3A_137 = arith.divf %dot_general3A_134, %div3A_136 : vector<256x256xf32>
    %reduce_max3A_138 = arith.constant dense<0xFF800000> : vector<256xf32>
    %reduce_max3A_139 = vector.multi_reduction <maximumf>, %div3A_137, %reduce_max3A_138 [1] : vector<256x256xf32> to vector<256xf32>
    %broadcast_in_dim3A_140 = vector.shape_cast %reduce_max3A_139 : vector<256xf32> to vector<256x1xf32>
    %sub3A_141 = vector.broadcast %broadcast_in_dim3A_140 : vector<256x1xf32> to vector<256x256xf32>
    %sub3A_142 = arith.subf %div3A_137, %sub3A_141 : vector<256x256xf32>
    %exp3A_143 = math.exp %sub3A_142 : vector<256x256xf32>
    %reduce_sum3A_144 = arith.constant dense<0.000000e+00> : vector<256xf32>
    %reduce_sum3A_145 = vector.multi_reduction <add>, %exp3A_143, %reduce_sum3A_144 [1] : vector<256x256xf32> to vector<256xf32>
    %broadcast_in_dim3A_146 = vector.shape_cast %reduce_sum3A_145 : vector<256xf32> to vector<256x1xf32>
    %div3A_147 = vector.broadcast %broadcast_in_dim3A_146 : vector<256x1xf32> to vector<256x256xf32>
    %div3A_148 = arith.divf %exp3A_143, %div3A_147 : vector<256x256xf32>
    %dot_general3A_149 = arith.constant dense<0.000000e+00> : vector<256x64xf32>
    %dot_general3A_150 = tpu.matmul %div3A_148, %slice3A_132, %dot_general3A_149 {dimension_numbers = #tpu.dot_dimension_numbers<[1], [0], [0], [1], [0, 0, 1, 1], [], []>, transpose_lhs_hint = false} : vector<256x256xf32>, vector<256x64xf32>, vector<256x64xf32> -> vector<256x64xf32>
    %slice3A_151 = vector.extract_strided_slice %add3A_91 {offsets = [0, 128], sizes = [256, 64], strides = [1, 1]} : vector<256x256xf32> to vector<256x64xf32>
    %slice3A_152 = vector.extract_strided_slice %add3A_101 {offsets = [0, 128], sizes = [256, 64], strides = [1, 1]} : vector<256x256xf32> to vector<256x64xf32>
    %slice3A_153 = vector.extract_strided_slice %add3A_111 {offsets = [0, 128], sizes = [256, 64], strides = [1, 1]} : vector<256x256xf32> to vector<256x64xf32>
    %dot_general3A_154 = arith.constant dense<0.000000e+00> : vector<256x256xf32>
    %dot_general3A_155 = tpu.matmul %slice3A_151, %slice3A_152, %dot_general3A_154 {dimension_numbers = #tpu.dot_dimension_numbers<[1], [1], [0], [0], [0, 0, 1, 0], [], []>, transpose_lhs_hint = false} : vector<256x64xf32>, vector<256x64xf32>, vector<256x256xf32> -> vector<256x256xf32>
    %div3A_156 = arith.constant 8.000000e+00 : f32
    %div3A_157 = vector.broadcast %div3A_156 : f32 to vector<256x256xf32>
    %div3A_158 = arith.divf %dot_general3A_155, %div3A_157 : vector<256x256xf32>
    %reduce_max3A_159 = arith.constant dense<0xFF800000> : vector<256xf32>
    %reduce_max3A_160 = vector.multi_reduction <maximumf>, %div3A_158, %reduce_max3A_159 [1] : vector<256x256xf32> to vector<256xf32>
    %broadcast_in_dim3A_161 = vector.shape_cast %reduce_max3A_160 : vector<256xf32> to vector<256x1xf32>
    %sub3A_162 = vector.broadcast %broadcast_in_dim3A_161 : vector<256x1xf32> to vector<256x256xf32>
    %sub3A_163 = arith.subf %div3A_158, %sub3A_162 : vector<256x256xf32>
    %exp3A_164 = math.exp %sub3A_163 : vector<256x256xf32>
    %reduce_sum3A_165 = arith.constant dense<0.000000e+00> : vector<256xf32>
    %reduce_sum3A_166 = vector.multi_reduction <add>, %exp3A_164, %reduce_sum3A_165 [1] : vector<256x256xf32> to vector<256xf32>
    %broadcast_in_dim3A_167 = vector.shape_cast %reduce_sum3A_166 : vector<256xf32> to vector<256x1xf32>
    %div3A_168 = vector.broadcast %broadcast_in_dim3A_167 : vector<256x1xf32> to vector<256x256xf32>
    %div3A_169 = arith.divf %exp3A_164, %div3A_168 : vector<256x256xf32>
    %dot_general3A_170 = arith.constant dense<0.000000e+00> : vector<256x64xf32>
    %dot_general3A_171 = tpu.matmul %div3A_169, %slice3A_153, %dot_general3A_170 {dimension_numbers = #tpu.dot_dimension_numbers<[1], [0], [0], [1], [0, 0, 1, 1], [], []>, transpose_lhs_hint = false} : vector<256x256xf32>, vector<256x64xf32>, vector<256x64xf32> -> vector<256x64xf32>
    %slice3A_172 = vector.extract_strided_slice %add3A_91 {offsets = [0, 192], sizes = [256, 64], strides = [1, 1]} : vector<256x256xf32> to vector<256x64xf32>
    %slice3A_173 = vector.extract_strided_slice %add3A_101 {offsets = [0, 192], sizes = [256, 64], strides = [1, 1]} : vector<256x256xf32> to vector<256x64xf32>
    %slice3A_174 = vector.extract_strided_slice %add3A_111 {offsets = [0, 192], sizes = [256, 64], strides = [1, 1]} : vector<256x256xf32> to vector<256x64xf32>
    %dot_general3A_175 = arith.constant dense<0.000000e+00> : vector<256x256xf32>
    %dot_general3A_176 = tpu.matmul %slice3A_172, %slice3A_173, %dot_general3A_175 {dimension_numbers = #tpu.dot_dimension_numbers<[1], [1], [0], [0], [0, 0, 1, 0], [], []>, transpose_lhs_hint = false} : vector<256x64xf32>, vector<256x64xf32>, vector<256x256xf32> -> vector<256x256xf32>
    %div3A_177 = arith.constant 8.000000e+00 : f32
    %div3A_178 = vector.broadcast %div3A_177 : f32 to vector<256x256xf32>
    %div3A_179 = arith.divf %dot_general3A_176, %div3A_178 : vector<256x256xf32>
    %reduce_max3A_180 = arith.constant dense<0xFF800000> : vector<256xf32>
    %reduce_max3A_181 = vector.multi_reduction <maximumf>, %div3A_179, %reduce_max3A_180 [1] : vector<256x256xf32> to vector<256xf32>
    %broadcast_in_dim3A_182 = vector.shape_cast %reduce_max3A_181 : vector<256xf32> to vector<256x1xf32>
    %sub3A_183 = vector.broadcast %broadcast_in_dim3A_182 : vector<256x1xf32> to vector<256x256xf32>
    %sub3A_184 = arith.subf %div3A_179, %sub3A_183 : vector<256x256xf32>
    %exp3A_185 = math.exp %sub3A_184 : vector<256x256xf32>
    %reduce_sum3A_186 = arith.constant dense<0.000000e+00> : vector<256xf32>
    %reduce_sum3A_187 = vector.multi_reduction <add>, %exp3A_185, %reduce_sum3A_186 [1] : vector<256x256xf32> to vector<256xf32>
    %broadcast_in_dim3A_188 = vector.shape_cast %reduce_sum3A_187 : vector<256xf32> to vector<256x1xf32>
    %div3A_189 = vector.broadcast %broadcast_in_dim3A_188 : vector<256x1xf32> to vector<256x256xf32>
    %div3A_190 = arith.divf %exp3A_185, %div3A_189 : vector<256x256xf32>
    %dot_general3A_191 = arith.constant dense<0.000000e+00> : vector<256x64xf32>
    %dot_general3A_192 = tpu.matmul %div3A_190, %slice3A_174, %dot_general3A_191 {dimension_numbers = #tpu.dot_dimension_numbers<[1], [0], [0], [1], [0, 0, 1, 1], [], []>, transpose_lhs_hint = false} : vector<256x256xf32>, vector<256x64xf32>, vector<256x64xf32> -> vector<256x64xf32>
    %concatenate3A = tpu.concatenate %dot_general3A_129, %dot_general3A_150, %dot_general3A_171, %dot_general3A_192 in 1 : vector<256x64xf32>, vector<256x64xf32>, vector<256x64xf32>, vector<256x64xf32> -> vector<256x256xf32>
    %get3A_193 = arith.constant 0 : index
    %get3A_194 = arith.constant 0 : index
    %get3A_195 = arith.constant 0 : index
    %get3A_196 = vector.load %arg13[%get3A_193, %get3A_194, %get3A_195] : memref<3x256x256xf32, #tpu.memory_space<vmem>>, vector<1x256x256xf32>
    %get3A_197 = vector.shape_cast %get3A_196 : vector<1x256x256xf32> to vector<256x256xf32>
    %dot_general3A_198 = arith.constant dense<0.000000e+00> : vector<256x256xf32>
    %dot_general3A_199 = tpu.matmul %concatenate3A, %get3A_197, %dot_general3A_198 {dimension_numbers = #tpu.dot_dimension_numbers<[1], [1], [0], [0], [0, 0, 1, 0], [], []>, transpose_lhs_hint = false} : vector<256x256xf32>, vector<256x256xf32>, vector<256x256xf32> -> vector<256x256xf32>
    %get3A_200 = arith.constant 0 : index
    %get3A_201 = arith.constant 0 : index
    %get3A_202 = vector.load %arg14[%get3A_200, %get3A_201] : memref<3x256xf32, #tpu.memory_space<vmem>>, vector<3x256xf32>
    %slice3A_203 = vector.extract_strided_slice %get3A_202 {offsets = [0, 0], sizes = [1, 256], strides = [1, 1]} : vector<3x256xf32> to vector<1x256xf32>
    %squeeze3A = vector.shape_cast %slice3A_203 : vector<1x256xf32> to vector<256xf32>
    %broadcast_in_dim3A_204 = vector.shape_cast %squeeze3A : vector<256xf32> to vector<1x256xf32>
    %add3A_205 = vector.broadcast %broadcast_in_dim3A_204 : vector<1x256xf32> to vector<256x256xf32>
    %add3A_206 = arith.addf %dot_general3A_199, %add3A_205 : vector<256x256xf32>
    %iota3A_207 = tpu.iota {dimensions = array<i32: 0>} : vector<1024x256xi32>
    %convert_element_type3A = arith.sitofp %iota3A_207 : vector<1024x256xi32> to vector<1024x256xf32>
    %iota3A_208 = tpu.iota {dimensions = array<i32: 1>} : vector<1024x256xi32>
    %convert_element_type3A_209 = arith.sitofp %iota3A_208 : vector<1024x256xi32> to vector<1024x256xf32>
    %add3A_210 = arith.constant 5.000000e-01 : f32
    %add3A_211 = vector.broadcast %add3A_210 : f32 to vector<1024x256xf32>
    %add3A_212 = arith.addf %convert_element_type3A, %add3A_211 : vector<1024x256xf32>
    %mul3A_213 = arith.constant 2.500000e-01 : f32
    %mul3A_214 = vector.broadcast %mul3A_213 : f32 to vector<1024x256xf32>
    %mul3A_215 = arith.mulf %add3A_212, %mul3A_214 : vector<1024x256xf32>
    %sub3A_216 = arith.constant 5.000000e-01 : f32
    %sub3A_217 = vector.broadcast %sub3A_216 : f32 to vector<1024x256xf32>
    %sub3A_218 = arith.subf %mul3A_215, %sub3A_217 : vector<1024x256xf32>
    %jit3A_219 = arith.constant 0.000000e+00 : f32
    %jit3A_220 = arith.constant 2.550000e+02 : f32
    %max3A = vector.broadcast %jit3A_219 : f32 to vector<1024x256xf32>
    %max3A_221 = arith.maximumf %max3A, %sub3A_218 : vector<1024x256xf32>
    %min3A = vector.broadcast %jit3A_220 : f32 to vector<1024x256xf32>
    %min3A_222 = arith.minimumf %min3A, %max3A_221 : vector<1024x256xf32>
    %floor3A = math.floor %min3A_222 : vector<1024x256xf32>
    %add3A_223 = arith.constant 1.000000e+00 : f32
    %add3A_224 = vector.broadcast %add3A_223 : f32 to vector<1024x256xf32>
    %add3A_225 = arith.addf %floor3A, %add3A_224 : vector<1024x256xf32>
    %min3A_226 = arith.constant 2.550000e+02 : f32
    %min3A_227 = vector.broadcast %min3A_226 : f32 to vector<1024x256xf32>
    %min3A_228 = arith.minimumf %add3A_225, %min3A_227 : vector<1024x256xf32>
    %sub3A_229 = arith.subf %min3A_222, %floor3A : vector<1024x256xf32>
    %eq3A_230 = arith.cmpf oeq, %convert_element_type3A_209, %floor3A : vector<1024x256xf32>
    %sub3A_231 = arith.constant 1.000000e+00 : f32
    %sub3A_232 = vector.broadcast %sub3A_231 : f32 to vector<1024x256xf32>
    %sub3A_233 = arith.subf %sub3A_232, %sub3A_229 : vector<1024x256xf32>
    %jit3A_234 = arith.constant 0.000000e+00 : f32
    %broadcast_in_dim3A_235 = vector.broadcast %jit3A_234 : f32 to vector<1024x256xf32>
    %select_n3A_236 = arith.select %eq3A_230, %sub3A_233, %broadcast_in_dim3A_235 : vector<1024x256xi1>, vector<1024x256xf32>
    %eq3A_237 = arith.cmpf oeq, %convert_element_type3A_209, %min3A_228 : vector<1024x256xf32>
    %jit3A_238 = arith.constant 0.000000e+00 : f32
    %broadcast_in_dim3A_239 = vector.broadcast %jit3A_238 : f32 to vector<1024x256xf32>
    %select_n3A_240 = arith.select %eq3A_237, %sub3A_229, %broadcast_in_dim3A_239 : vector<1024x256xi1>, vector<1024x256xf32>
    %add3A_241 = arith.addf %select_n3A_236, %select_n3A_240 : vector<1024x256xf32>
    %dot_general3A_242 = arith.constant dense<0.000000e+00> : vector<1024x256xf32>
    %dot_general3A_243 = tpu.matmul %add3A_241, %add3A_206, %dot_general3A_242 {dimension_numbers = #tpu.dot_dimension_numbers<[1], [0], [0], [1], [0, 0, 1, 1], [], []>, transpose_lhs_hint = false} : vector<1024x256xf32>, vector<256x256xf32>, vector<1024x256xf32> -> vector<1024x256xf32>
    %add3A_244 = arith.addf %broadcast_in_dim3A_48, %dot_general3A_243 : vector<1024x256xf32>
    %iota3A_245 = tpu.iota {dimensions = array<i32: 0>} : vector<128x1024xi32>
    %iota3A_246 = tpu.iota {dimensions = array<i32: 1>} : vector<128x1024xi32>
    %jit3A_247 = arith.constant 8 : i32
    %div3A_248 = vector.broadcast %jit3A_247 : i32 to vector<128x1024xi32>
    %div3A_249 = arith.divsi %iota3A_246, %div3A_248 : vector<128x1024xi32>
    %sign3A_250 = arith.constant 0 : i32
    %sign3A_251 = vector.broadcast %sign3A_250 : i32 to vector<128x1024xi32>
    %sign3A_252 = arith.cmpi sgt, %iota3A_246, %sign3A_251 : vector<128x1024xi32>
    %sign3A_253 = arith.extui %sign3A_252 : vector<128x1024xi1> to vector<128x1024xi32>
    %sign3A_254 = arith.constant 0 : i32
    %sign3A_255 = vector.broadcast %sign3A_254 : i32 to vector<128x1024xi32>
    %sign3A_256 = arith.cmpi slt, %iota3A_246, %sign3A_255 : vector<128x1024xi32>
    %sign3A_257 = arith.extui %sign3A_256 : vector<128x1024xi1> to vector<128x1024xi32>
    %sign3A_258 = arith.subi %sign3A_253, %sign3A_257 : vector<128x1024xi32>
    %sign3A_259 = arith.constant 0 : i32
    %sign3A_260 = arith.cmpi sgt, %jit3A_247, %sign3A_259 : i32
    %sign3A_261 = arith.extui %sign3A_260 : i1 to i32
    %sign3A_262 = arith.constant 0 : i32
    %sign3A_263 = arith.cmpi slt, %jit3A_247, %sign3A_262 : i32
    %sign3A_264 = arith.extui %sign3A_263 : i1 to i32
    %sign3A_265 = arith.subi %sign3A_261, %sign3A_264 : i32
    %ne3A_266 = vector.broadcast %sign3A_265 : i32 to vector<128x1024xi32>
    %ne3A_267 = arith.cmpi ne, %sign3A_258, %ne3A_266 : vector<128x1024xi32>
    %rem3A_268 = vector.broadcast %jit3A_247 : i32 to vector<128x1024xi32>
    %rem3A_269 = arith.remsi %iota3A_246, %rem3A_268 : vector<128x1024xi32>
    %ne3A_270 = arith.constant 0 : i32
    %ne3A_271 = vector.broadcast %ne3A_270 : i32 to vector<128x1024xi32>
    %ne3A_272 = arith.cmpi ne, %rem3A_269, %ne3A_271 : vector<128x1024xi32>
    %and3A_273 = arith.andi %ne3A_267, %ne3A_272 : vector<128x1024xi1>
    %sub3A_274 = arith.constant 1 : i32
    %sub3A_275 = vector.broadcast %sub3A_274 : i32 to vector<128x1024xi32>
    %sub3A_276 = arith.subi %div3A_249, %sub3A_275 : vector<128x1024xi32>
    %select_n3A_277 = arith.select %and3A_273, %sub3A_276, %div3A_249 : vector<128x1024xi1>, vector<128x1024xi32>
    %eq3A_278 = arith.cmpi eq, %select_n3A_277, %iota3A_245 : vector<128x1024xi32>
    %jit3A_279 = arith.constant 1.250000e-01 : f32
    %jit3A_280 = arith.constant 0.000000e+00 : f32
    %broadcast_in_dim3A_281 = vector.broadcast %jit3A_279 : f32 to vector<128x1024xf32>
    %broadcast_in_dim3A_282 = vector.broadcast %jit3A_280 : f32 to vector<128x1024xf32>
    %select_n3A_283 = arith.select %eq3A_278, %broadcast_in_dim3A_281, %broadcast_in_dim3A_282 : vector<128x1024xi1>, vector<128x1024xf32>
    %dot_general3A_284 = arith.constant dense<0.000000e+00> : vector<128x256xf32>
    %dot_general3A_285 = tpu.matmul %select_n3A_283, %select_n3A, %dot_general3A_284 {dimension_numbers = #tpu.dot_dimension_numbers<[1], [0], [0], [1], [0, 0, 1, 1], [], []>, transpose_lhs_hint = false} : vector<128x1024xf32>, vector<1024x256xf32>, vector<128x256xf32> -> vector<128x256xf32>
    %get3A_286 = arith.constant 0 : index
    %get3A_287 = arith.constant 0 : index
    %get3A_288 = vector.load %arg7[%get3A_286, %get3A_287] : memref<256x256xf32, #tpu.memory_space<vmem>>, vector<256x256xf32>
    %dot_general3A_289 = arith.constant dense<0.000000e+00> : vector<128x256xf32>
    %dot_general3A_290 = tpu.matmul %dot_general3A_285, %get3A_288, %dot_general3A_289 {dimension_numbers = #tpu.dot_dimension_numbers<[1], [1], [0], [0], [0, 0, 1, 0], [], []>, transpose_lhs_hint = false} : vector<128x256xf32>, vector<256x256xf32>, vector<128x256xf32> -> vector<128x256xf32>
    %get3A_291 = arith.constant 0 : index
    %get3A_292 = vector.load %arg8[%get3A_291] : memref<256xf32, #tpu.memory_space<vmem>>, vector<256xf32>
    %broadcast_in_dim3A_293 = vector.shape_cast %get3A_292 : vector<256xf32> to vector<1x256xf32>
    %add3A_294 = vector.broadcast %broadcast_in_dim3A_293 : vector<1x256xf32> to vector<128x256xf32>
    %add3A_295 = arith.addf %dot_general3A_290, %add3A_294 : vector<128x256xf32>
    %get3A_296 = arith.constant 0 : index
    %get3A_297 = arith.constant 0 : index
    %get3A_298 = vector.load %arg9[%get3A_296, %get3A_297] : memref<256x256xf32, #tpu.memory_space<vmem>>, vector<256x256xf32>
    %dot_general3A_299 = arith.constant dense<0.000000e+00> : vector<128x256xf32>
    %dot_general3A_300 = tpu.matmul %dot_general3A_285, %get3A_298, %dot_general3A_299 {dimension_numbers = #tpu.dot_dimension_numbers<[1], [1], [0], [0], [0, 0, 1, 0], [], []>, transpose_lhs_hint = false} : vector<128x256xf32>, vector<256x256xf32>, vector<128x256xf32> -> vector<128x256xf32>
    %get3A_301 = arith.constant 0 : index
    %get3A_302 = vector.load %arg10[%get3A_301] : memref<256xf32, #tpu.memory_space<vmem>>, vector<256xf32>
    %broadcast_in_dim3A_303 = vector.shape_cast %get3A_302 : vector<256xf32> to vector<1x256xf32>
    %add3A_304 = vector.broadcast %broadcast_in_dim3A_303 : vector<1x256xf32> to vector<128x256xf32>
    %add3A_305 = arith.addf %dot_general3A_300, %add3A_304 : vector<128x256xf32>
    %get3A_306 = arith.constant 0 : index
    %get3A_307 = arith.constant 0 : index
    %get3A_308 = vector.load %arg11[%get3A_306, %get3A_307] : memref<256x256xf32, #tpu.memory_space<vmem>>, vector<256x256xf32>
    %dot_general3A_309 = arith.constant dense<0.000000e+00> : vector<128x256xf32>
    %dot_general3A_310 = tpu.matmul %dot_general3A_285, %get3A_308, %dot_general3A_309 {dimension_numbers = #tpu.dot_dimension_numbers<[1], [1], [0], [0], [0, 0, 1, 0], [], []>, transpose_lhs_hint = false} : vector<128x256xf32>, vector<256x256xf32>, vector<128x256xf32> -> vector<128x256xf32>
    %get3A_311 = arith.constant 0 : index
    %get3A_312 = vector.load %arg12[%get3A_311] : memref<256xf32, #tpu.memory_space<vmem>>, vector<256xf32>
    %broadcast_in_dim3A_313 = vector.shape_cast %get3A_312 : vector<256xf32> to vector<1x256xf32>
    %add3A_314 = vector.broadcast %broadcast_in_dim3A_313 : vector<1x256xf32> to vector<128x256xf32>
    %add3A_315 = arith.addf %dot_general3A_310, %add3A_314 : vector<128x256xf32>
    %slice3A_316 = vector.extract_strided_slice %add3A_295 {offsets = [0, 0], sizes = [128, 64], strides = [1, 1]} : vector<128x256xf32> to vector<128x64xf32>
    %slice3A_317 = vector.extract_strided_slice %add3A_305 {offsets = [0, 0], sizes = [128, 64], strides = [1, 1]} : vector<128x256xf32> to vector<128x64xf32>
    %slice3A_318 = vector.extract_strided_slice %add3A_315 {offsets = [0, 0], sizes = [128, 64], strides = [1, 1]} : vector<128x256xf32> to vector<128x64xf32>
    %dot_general3A_319 = arith.constant dense<0.000000e+00> : vector<128x128xf32>
    %dot_general3A_320 = tpu.matmul %slice3A_316, %slice3A_317, %dot_general3A_319 {dimension_numbers = #tpu.dot_dimension_numbers<[1], [1], [0], [0], [0, 0, 1, 0], [], []>, transpose_lhs_hint = false} : vector<128x64xf32>, vector<128x64xf32>, vector<128x128xf32> -> vector<128x128xf32>
    %div3A_321 = arith.constant 8.000000e+00 : f32
    %div3A_322 = vector.broadcast %div3A_321 : f32 to vector<128x128xf32>
    %div3A_323 = arith.divf %dot_general3A_320, %div3A_322 : vector<128x128xf32>
    %reduce_max3A_324 = arith.constant dense<0xFF800000> : vector<128xf32>
    %reduce_max3A_325 = vector.multi_reduction <maximumf>, %div3A_323, %reduce_max3A_324 [1] : vector<128x128xf32> to vector<128xf32>
    %broadcast_in_dim3A_326 = vector.shape_cast %reduce_max3A_325 : vector<128xf32> to vector<128x1xf32>
    %sub3A_327 = vector.broadcast %broadcast_in_dim3A_326 : vector<128x1xf32> to vector<128x128xf32>
    %sub3A_328 = arith.subf %div3A_323, %sub3A_327 : vector<128x128xf32>
    %exp3A_329 = math.exp %sub3A_328 : vector<128x128xf32>
    %reduce_sum3A_330 = arith.constant dense<0.000000e+00> : vector<128xf32>
    %reduce_sum3A_331 = vector.multi_reduction <add>, %exp3A_329, %reduce_sum3A_330 [1] : vector<128x128xf32> to vector<128xf32>
    %broadcast_in_dim3A_332 = vector.shape_cast %reduce_sum3A_331 : vector<128xf32> to vector<128x1xf32>
    %div3A_333 = vector.broadcast %broadcast_in_dim3A_332 : vector<128x1xf32> to vector<128x128xf32>
    %div3A_334 = arith.divf %exp3A_329, %div3A_333 : vector<128x128xf32>
    %dot_general3A_335 = arith.constant dense<0.000000e+00> : vector<128x64xf32>
    %dot_general3A_336 = tpu.matmul %div3A_334, %slice3A_318, %dot_general3A_335 {dimension_numbers = #tpu.dot_dimension_numbers<[1], [0], [0], [1], [0, 0, 1, 1], [], []>, transpose_lhs_hint = false} : vector<128x128xf32>, vector<128x64xf32>, vector<128x64xf32> -> vector<128x64xf32>
    %slice3A_337 = vector.extract_strided_slice %add3A_295 {offsets = [0, 64], sizes = [128, 64], strides = [1, 1]} : vector<128x256xf32> to vector<128x64xf32>
    %slice3A_338 = vector.extract_strided_slice %add3A_305 {offsets = [0, 64], sizes = [128, 64], strides = [1, 1]} : vector<128x256xf32> to vector<128x64xf32>
    %slice3A_339 = vector.extract_strided_slice %add3A_315 {offsets = [0, 64], sizes = [128, 64], strides = [1, 1]} : vector<128x256xf32> to vector<128x64xf32>
    %dot_general3A_340 = arith.constant dense<0.000000e+00> : vector<128x128xf32>
    %dot_general3A_341 = tpu.matmul %slice3A_337, %slice3A_338, %dot_general3A_340 {dimension_numbers = #tpu.dot_dimension_numbers<[1], [1], [0], [0], [0, 0, 1, 0], [], []>, transpose_lhs_hint = false} : vector<128x64xf32>, vector<128x64xf32>, vector<128x128xf32> -> vector<128x128xf32>
    %div3A_342 = arith.constant 8.000000e+00 : f32
    %div3A_343 = vector.broadcast %div3A_342 : f32 to vector<128x128xf32>
    %div3A_344 = arith.divf %dot_general3A_341, %div3A_343 : vector<128x128xf32>
    %reduce_max3A_345 = arith.constant dense<0xFF800000> : vector<128xf32>
    %reduce_max3A_346 = vector.multi_reduction <maximumf>, %div3A_344, %reduce_max3A_345 [1] : vector<128x128xf32> to vector<128xf32>
    %broadcast_in_dim3A_347 = vector.shape_cast %reduce_max3A_346 : vector<128xf32> to vector<128x1xf32>
    %sub3A_348 = vector.broadcast %broadcast_in_dim3A_347 : vector<128x1xf32> to vector<128x128xf32>
    %sub3A_349 = arith.subf %div3A_344, %sub3A_348 : vector<128x128xf32>
    %exp3A_350 = math.exp %sub3A_349 : vector<128x128xf32>
    %reduce_sum3A_351 = arith.constant dense<0.000000e+00> : vector<128xf32>
    %reduce_sum3A_352 = vector.multi_reduction <add>, %exp3A_350, %reduce_sum3A_351 [1] : vector<128x128xf32> to vector<128xf32>
    %broadcast_in_dim3A_353 = vector.shape_cast %reduce_sum3A_352 : vector<128xf32> to vector<128x1xf32>
    %div3A_354 = vector.broadcast %broadcast_in_dim3A_353 : vector<128x1xf32> to vector<128x128xf32>
    %div3A_355 = arith.divf %exp3A_350, %div3A_354 : vector<128x128xf32>
    %dot_general3A_356 = arith.constant dense<0.000000e+00> : vector<128x64xf32>
    %dot_general3A_357 = tpu.matmul %div3A_355, %slice3A_339, %dot_general3A_356 {dimension_numbers = #tpu.dot_dimension_numbers<[1], [0], [0], [1], [0, 0, 1, 1], [], []>, transpose_lhs_hint = false} : vector<128x128xf32>, vector<128x64xf32>, vector<128x64xf32> -> vector<128x64xf32>
    %slice3A_358 = vector.extract_strided_slice %add3A_295 {offsets = [0, 128], sizes = [128, 64], strides = [1, 1]} : vector<128x256xf32> to vector<128x64xf32>
    %slice3A_359 = vector.extract_strided_slice %add3A_305 {offsets = [0, 128], sizes = [128, 64], strides = [1, 1]} : vector<128x256xf32> to vector<128x64xf32>
    %slice3A_360 = vector.extract_strided_slice %add3A_315 {offsets = [0, 128], sizes = [128, 64], strides = [1, 1]} : vector<128x256xf32> to vector<128x64xf32>
    %dot_general3A_361 = arith.constant dense<0.000000e+00> : vector<128x128xf32>
    %dot_general3A_362 = tpu.matmul %slice3A_358, %slice3A_359, %dot_general3A_361 {dimension_numbers = #tpu.dot_dimension_numbers<[1], [1], [0], [0], [0, 0, 1, 0], [], []>, transpose_lhs_hint = false} : vector<128x64xf32>, vector<128x64xf32>, vector<128x128xf32> -> vector<128x128xf32>
    %div3A_363 = arith.constant 8.000000e+00 : f32
    %div3A_364 = vector.broadcast %div3A_363 : f32 to vector<128x128xf32>
    %div3A_365 = arith.divf %dot_general3A_362, %div3A_364 : vector<128x128xf32>
    %reduce_max3A_366 = arith.constant dense<0xFF800000> : vector<128xf32>
    %reduce_max3A_367 = vector.multi_reduction <maximumf>, %div3A_365, %reduce_max3A_366 [1] : vector<128x128xf32> to vector<128xf32>
    %broadcast_in_dim3A_368 = vector.shape_cast %reduce_max3A_367 : vector<128xf32> to vector<128x1xf32>
    %sub3A_369 = vector.broadcast %broadcast_in_dim3A_368 : vector<128x1xf32> to vector<128x128xf32>
    %sub3A_370 = arith.subf %div3A_365, %sub3A_369 : vector<128x128xf32>
    %exp3A_371 = math.exp %sub3A_370 : vector<128x128xf32>
    %reduce_sum3A_372 = arith.constant dense<0.000000e+00> : vector<128xf32>
    %reduce_sum3A_373 = vector.multi_reduction <add>, %exp3A_371, %reduce_sum3A_372 [1] : vector<128x128xf32> to vector<128xf32>
    %broadcast_in_dim3A_374 = vector.shape_cast %reduce_sum3A_373 : vector<128xf32> to vector<128x1xf32>
    %div3A_375 = vector.broadcast %broadcast_in_dim3A_374 : vector<128x1xf32> to vector<128x128xf32>
    %div3A_376 = arith.divf %exp3A_371, %div3A_375 : vector<128x128xf32>
    %dot_general3A_377 = arith.constant dense<0.000000e+00> : vector<128x64xf32>
    %dot_general3A_378 = tpu.matmul %div3A_376, %slice3A_360, %dot_general3A_377 {dimension_numbers = #tpu.dot_dimension_numbers<[1], [0], [0], [1], [0, 0, 1, 1], [], []>, transpose_lhs_hint = false} : vector<128x128xf32>, vector<128x64xf32>, vector<128x64xf32> -> vector<128x64xf32>
    %slice3A_379 = vector.extract_strided_slice %add3A_295 {offsets = [0, 192], sizes = [128, 64], strides = [1, 1]} : vector<128x256xf32> to vector<128x64xf32>
    %slice3A_380 = vector.extract_strided_slice %add3A_305 {offsets = [0, 192], sizes = [128, 64], strides = [1, 1]} : vector<128x256xf32> to vector<128x64xf32>
    %slice3A_381 = vector.extract_strided_slice %add3A_315 {offsets = [0, 192], sizes = [128, 64], strides = [1, 1]} : vector<128x256xf32> to vector<128x64xf32>
    %dot_general3A_382 = arith.constant dense<0.000000e+00> : vector<128x128xf32>
    %dot_general3A_383 = tpu.matmul %slice3A_379, %slice3A_380, %dot_general3A_382 {dimension_numbers = #tpu.dot_dimension_numbers<[1], [1], [0], [0], [0, 0, 1, 0], [], []>, transpose_lhs_hint = false} : vector<128x64xf32>, vector<128x64xf32>, vector<128x128xf32> -> vector<128x128xf32>
    %div3A_384 = arith.constant 8.000000e+00 : f32
    %div3A_385 = vector.broadcast %div3A_384 : f32 to vector<128x128xf32>
    %div3A_386 = arith.divf %dot_general3A_383, %div3A_385 : vector<128x128xf32>
    %reduce_max3A_387 = arith.constant dense<0xFF800000> : vector<128xf32>
    %reduce_max3A_388 = vector.multi_reduction <maximumf>, %div3A_386, %reduce_max3A_387 [1] : vector<128x128xf32> to vector<128xf32>
    %broadcast_in_dim3A_389 = vector.shape_cast %reduce_max3A_388 : vector<128xf32> to vector<128x1xf32>
    %sub3A_390 = vector.broadcast %broadcast_in_dim3A_389 : vector<128x1xf32> to vector<128x128xf32>
    %sub3A_391 = arith.subf %div3A_386, %sub3A_390 : vector<128x128xf32>
    %exp3A_392 = math.exp %sub3A_391 : vector<128x128xf32>
    %reduce_sum3A_393 = arith.constant dense<0.000000e+00> : vector<128xf32>
    %reduce_sum3A_394 = vector.multi_reduction <add>, %exp3A_392, %reduce_sum3A_393 [1] : vector<128x128xf32> to vector<128xf32>
    %broadcast_in_dim3A_395 = vector.shape_cast %reduce_sum3A_394 : vector<128xf32> to vector<128x1xf32>
    %div3A_396 = vector.broadcast %broadcast_in_dim3A_395 : vector<128x1xf32> to vector<128x128xf32>
    %div3A_397 = arith.divf %exp3A_392, %div3A_396 : vector<128x128xf32>
    %dot_general3A_398 = arith.constant dense<0.000000e+00> : vector<128x64xf32>
    %dot_general3A_399 = tpu.matmul %div3A_397, %slice3A_381, %dot_general3A_398 {dimension_numbers = #tpu.dot_dimension_numbers<[1], [0], [0], [1], [0, 0, 1, 1], [], []>, transpose_lhs_hint = false} : vector<128x128xf32>, vector<128x64xf32>, vector<128x64xf32> -> vector<128x64xf32>
    %concatenate3A_400 = tpu.concatenate %dot_general3A_336, %dot_general3A_357, %dot_general3A_378, %dot_general3A_399 in 1 : vector<128x64xf32>, vector<128x64xf32>, vector<128x64xf32>, vector<128x64xf32> -> vector<128x256xf32>
    %get3A_401 = arith.constant 1 : index
    %get3A_402 = arith.constant 0 : index
    %get3A_403 = arith.constant 0 : index
    %get3A_404 = vector.load %arg13[%get3A_401, %get3A_402, %get3A_403] : memref<3x256x256xf32, #tpu.memory_space<vmem>>, vector<1x256x256xf32>
    %get3A_405 = vector.shape_cast %get3A_404 : vector<1x256x256xf32> to vector<256x256xf32>
    %dot_general3A_406 = arith.constant dense<0.000000e+00> : vector<128x256xf32>
    %dot_general3A_407 = tpu.matmul %concatenate3A_400, %get3A_405, %dot_general3A_406 {dimension_numbers = #tpu.dot_dimension_numbers<[1], [1], [0], [0], [0, 0, 1, 0], [], []>, transpose_lhs_hint = false} : vector<128x256xf32>, vector<256x256xf32>, vector<128x256xf32> -> vector<128x256xf32>
    %get3A_408 = arith.constant 0 : index
    %get3A_409 = arith.constant 0 : index
    %get3A_410 = vector.load %arg14[%get3A_408, %get3A_409] : memref<3x256xf32, #tpu.memory_space<vmem>>, vector<3x256xf32>
    %slice3A_411 = vector.extract_strided_slice %get3A_410 {offsets = [1, 0], sizes = [1, 256], strides = [1, 1]} : vector<3x256xf32> to vector<1x256xf32>
    %squeeze3A_412 = vector.shape_cast %slice3A_411 : vector<1x256xf32> to vector<256xf32>
    %broadcast_in_dim3A_413 = vector.shape_cast %squeeze3A_412 : vector<256xf32> to vector<1x256xf32>
    %add3A_414 = vector.broadcast %broadcast_in_dim3A_413 : vector<1x256xf32> to vector<128x256xf32>
    %add3A_415 = arith.addf %dot_general3A_407, %add3A_414 : vector<128x256xf32>
    %iota3A_416 = tpu.iota {dimensions = array<i32: 0>} : vector<1024x128xi32>
    %convert_element_type3A_417 = arith.sitofp %iota3A_416 : vector<1024x128xi32> to vector<1024x128xf32>
    %iota3A_418 = tpu.iota {dimensions = array<i32: 1>} : vector<1024x128xi32>
    %convert_element_type3A_419 = arith.sitofp %iota3A_418 : vector<1024x128xi32> to vector<1024x128xf32>
    %add3A_420 = arith.constant 5.000000e-01 : f32
    %add3A_421 = vector.broadcast %add3A_420 : f32 to vector<1024x128xf32>
    %add3A_422 = arith.addf %convert_element_type3A_417, %add3A_421 : vector<1024x128xf32>
    %mul3A_423 = arith.constant 1.250000e-01 : f32
    %mul3A_424 = vector.broadcast %mul3A_423 : f32 to vector<1024x128xf32>
    %mul3A_425 = arith.mulf %add3A_422, %mul3A_424 : vector<1024x128xf32>
    %sub3A_426 = arith.constant 5.000000e-01 : f32
    %sub3A_427 = vector.broadcast %sub3A_426 : f32 to vector<1024x128xf32>
    %sub3A_428 = arith.subf %mul3A_425, %sub3A_427 : vector<1024x128xf32>
    %jit3A_429 = arith.constant 0.000000e+00 : f32
    %jit3A_430 = arith.constant 1.270000e+02 : f32
    %max3A_431 = vector.broadcast %jit3A_429 : f32 to vector<1024x128xf32>
    %max3A_432 = arith.maximumf %max3A_431, %sub3A_428 : vector<1024x128xf32>
    %min3A_433 = vector.broadcast %jit3A_430 : f32 to vector<1024x128xf32>
    %min3A_434 = arith.minimumf %min3A_433, %max3A_432 : vector<1024x128xf32>
    %floor3A_435 = math.floor %min3A_434 : vector<1024x128xf32>
    %add3A_436 = arith.constant 1.000000e+00 : f32
    %add3A_437 = vector.broadcast %add3A_436 : f32 to vector<1024x128xf32>
    %add3A_438 = arith.addf %floor3A_435, %add3A_437 : vector<1024x128xf32>
    %min3A_439 = arith.constant 1.270000e+02 : f32
    %min3A_440 = vector.broadcast %min3A_439 : f32 to vector<1024x128xf32>
    %min3A_441 = arith.minimumf %add3A_438, %min3A_440 : vector<1024x128xf32>
    %sub3A_442 = arith.subf %min3A_434, %floor3A_435 : vector<1024x128xf32>
    %eq3A_443 = arith.cmpf oeq, %convert_element_type3A_419, %floor3A_435 : vector<1024x128xf32>
    %sub3A_444 = arith.constant 1.000000e+00 : f32
    %sub3A_445 = vector.broadcast %sub3A_444 : f32 to vector<1024x128xf32>
    %sub3A_446 = arith.subf %sub3A_445, %sub3A_442 : vector<1024x128xf32>
    %jit3A_447 = arith.constant 0.000000e+00 : f32
    %broadcast_in_dim3A_448 = vector.broadcast %jit3A_447 : f32 to vector<1024x128xf32>
    %select_n3A_449 = arith.select %eq3A_443, %sub3A_446, %broadcast_in_dim3A_448 : vector<1024x128xi1>, vector<1024x128xf32>
    %eq3A_450 = arith.cmpf oeq, %convert_element_type3A_419, %min3A_441 : vector<1024x128xf32>
    %jit3A_451 = arith.constant 0.000000e+00 : f32
    %broadcast_in_dim3A_452 = vector.broadcast %jit3A_451 : f32 to vector<1024x128xf32>
    %select_n3A_453 = arith.select %eq3A_450, %sub3A_442, %broadcast_in_dim3A_452 : vector<1024x128xi1>, vector<1024x128xf32>
    %add3A_454 = arith.addf %select_n3A_449, %select_n3A_453 : vector<1024x128xf32>
    %dot_general3A_455 = arith.constant dense<0.000000e+00> : vector<1024x256xf32>
    %dot_general3A_456 = tpu.matmul %add3A_454, %add3A_415, %dot_general3A_455 {dimension_numbers = #tpu.dot_dimension_numbers<[1], [0], [0], [1], [0, 0, 1, 1], [], []>, transpose_lhs_hint = false} : vector<1024x128xf32>, vector<128x256xf32>, vector<1024x256xf32> -> vector<1024x256xf32>
    %add3A_457 = arith.addf %add3A_244, %dot_general3A_456 : vector<1024x256xf32>
    %iota3A_458 = tpu.iota {dimensions = array<i32: 0>} : vector<64x1024xi32>
    %iota3A_459 = tpu.iota {dimensions = array<i32: 1>} : vector<64x1024xi32>
    %jit3A_460 = arith.constant 16 : i32
    %div3A_461 = vector.broadcast %jit3A_460 : i32 to vector<64x1024xi32>
    %div3A_462 = arith.divsi %iota3A_459, %div3A_461 : vector<64x1024xi32>
    %sign3A_463 = arith.constant 0 : i32
    %sign3A_464 = vector.broadcast %sign3A_463 : i32 to vector<64x1024xi32>
    %sign3A_465 = arith.cmpi sgt, %iota3A_459, %sign3A_464 : vector<64x1024xi32>
    %sign3A_466 = arith.extui %sign3A_465 : vector<64x1024xi1> to vector<64x1024xi32>
    %sign3A_467 = arith.constant 0 : i32
    %sign3A_468 = vector.broadcast %sign3A_467 : i32 to vector<64x1024xi32>
    %sign3A_469 = arith.cmpi slt, %iota3A_459, %sign3A_468 : vector<64x1024xi32>
    %sign3A_470 = arith.extui %sign3A_469 : vector<64x1024xi1> to vector<64x1024xi32>
    %sign3A_471 = arith.subi %sign3A_466, %sign3A_470 : vector<64x1024xi32>
    %sign3A_472 = arith.constant 0 : i32
    %sign3A_473 = arith.cmpi sgt, %jit3A_460, %sign3A_472 : i32
    %sign3A_474 = arith.extui %sign3A_473 : i1 to i32
    %sign3A_475 = arith.constant 0 : i32
    %sign3A_476 = arith.cmpi slt, %jit3A_460, %sign3A_475 : i32
    %sign3A_477 = arith.extui %sign3A_476 : i1 to i32
    %sign3A_478 = arith.subi %sign3A_474, %sign3A_477 : i32
    %ne3A_479 = vector.broadcast %sign3A_478 : i32 to vector<64x1024xi32>
    %ne3A_480 = arith.cmpi ne, %sign3A_471, %ne3A_479 : vector<64x1024xi32>
    %rem3A_481 = vector.broadcast %jit3A_460 : i32 to vector<64x1024xi32>
    %rem3A_482 = arith.remsi %iota3A_459, %rem3A_481 : vector<64x1024xi32>
    %ne3A_483 = arith.constant 0 : i32
    %ne3A_484 = vector.broadcast %ne3A_483 : i32 to vector<64x1024xi32>
    %ne3A_485 = arith.cmpi ne, %rem3A_482, %ne3A_484 : vector<64x1024xi32>
    %and3A_486 = arith.andi %ne3A_480, %ne3A_485 : vector<64x1024xi1>
    %sub3A_487 = arith.constant 1 : i32
    %sub3A_488 = vector.broadcast %sub3A_487 : i32 to vector<64x1024xi32>
    %sub3A_489 = arith.subi %div3A_462, %sub3A_488 : vector<64x1024xi32>
    %select_n3A_490 = arith.select %and3A_486, %sub3A_489, %div3A_462 : vector<64x1024xi1>, vector<64x1024xi32>
    %eq3A_491 = arith.cmpi eq, %select_n3A_490, %iota3A_458 : vector<64x1024xi32>
    %jit3A_492 = arith.constant 6.250000e-02 : f32
    %jit3A_493 = arith.constant 0.000000e+00 : f32
    %broadcast_in_dim3A_494 = vector.broadcast %jit3A_492 : f32 to vector<64x1024xf32>
    %broadcast_in_dim3A_495 = vector.broadcast %jit3A_493 : f32 to vector<64x1024xf32>
    %select_n3A_496 = arith.select %eq3A_491, %broadcast_in_dim3A_494, %broadcast_in_dim3A_495 : vector<64x1024xi1>, vector<64x1024xf32>
    %dot_general3A_497 = arith.constant dense<0.000000e+00> : vector<64x256xf32>
    %dot_general3A_498 = tpu.matmul %select_n3A_496, %select_n3A, %dot_general3A_497 {dimension_numbers = #tpu.dot_dimension_numbers<[1], [0], [0], [1], [0, 0, 1, 1], [], []>, transpose_lhs_hint = false} : vector<64x1024xf32>, vector<1024x256xf32>, vector<64x256xf32> -> vector<64x256xf32>
    %get3A_499 = arith.constant 0 : index
    %get3A_500 = arith.constant 0 : index
    %get3A_501 = vector.load %arg7[%get3A_499, %get3A_500] : memref<256x256xf32, #tpu.memory_space<vmem>>, vector<256x256xf32>
    %dot_general3A_502 = arith.constant dense<0.000000e+00> : vector<64x256xf32>
    %dot_general3A_503 = tpu.matmul %dot_general3A_498, %get3A_501, %dot_general3A_502 {dimension_numbers = #tpu.dot_dimension_numbers<[1], [1], [0], [0], [0, 0, 1, 0], [], []>, transpose_lhs_hint = false} : vector<64x256xf32>, vector<256x256xf32>, vector<64x256xf32> -> vector<64x256xf32>
    %get3A_504 = arith.constant 0 : index
    %get3A_505 = vector.load %arg8[%get3A_504] : memref<256xf32, #tpu.memory_space<vmem>>, vector<256xf32>
    %broadcast_in_dim3A_506 = vector.shape_cast %get3A_505 : vector<256xf32> to vector<1x256xf32>
    %add3A_507 = vector.broadcast %broadcast_in_dim3A_506 : vector<1x256xf32> to vector<64x256xf32>
    %add3A_508 = arith.addf %dot_general3A_503, %add3A_507 : vector<64x256xf32>
    %get3A_509 = arith.constant 0 : index
    %get3A_510 = arith.constant 0 : index
    %get3A_511 = vector.load %arg9[%get3A_509, %get3A_510] : memref<256x256xf32, #tpu.memory_space<vmem>>, vector<256x256xf32>
    %dot_general3A_512 = arith.constant dense<0.000000e+00> : vector<64x256xf32>
    %dot_general3A_513 = tpu.matmul %dot_general3A_498, %get3A_511, %dot_general3A_512 {dimension_numbers = #tpu.dot_dimension_numbers<[1], [1], [0], [0], [0, 0, 1, 0], [], []>, transpose_lhs_hint = false} : vector<64x256xf32>, vector<256x256xf32>, vector<64x256xf32> -> vector<64x256xf32>
    %get3A_514 = arith.constant 0 : index
    %get3A_515 = vector.load %arg10[%get3A_514] : memref<256xf32, #tpu.memory_space<vmem>>, vector<256xf32>
    %broadcast_in_dim3A_516 = vector.shape_cast %get3A_515 : vector<256xf32> to vector<1x256xf32>
    %add3A_517 = vector.broadcast %broadcast_in_dim3A_516 : vector<1x256xf32> to vector<64x256xf32>
    %add3A_518 = arith.addf %dot_general3A_513, %add3A_517 : vector<64x256xf32>
    %get3A_519 = arith.constant 0 : index
    %get3A_520 = arith.constant 0 : index
    %get3A_521 = vector.load %arg11[%get3A_519, %get3A_520] : memref<256x256xf32, #tpu.memory_space<vmem>>, vector<256x256xf32>
    %dot_general3A_522 = arith.constant dense<0.000000e+00> : vector<64x256xf32>
    %dot_general3A_523 = tpu.matmul %dot_general3A_498, %get3A_521, %dot_general3A_522 {dimension_numbers = #tpu.dot_dimension_numbers<[1], [1], [0], [0], [0, 0, 1, 0], [], []>, transpose_lhs_hint = false} : vector<64x256xf32>, vector<256x256xf32>, vector<64x256xf32> -> vector<64x256xf32>
    %get3A_524 = arith.constant 0 : index
    %get3A_525 = vector.load %arg12[%get3A_524] : memref<256xf32, #tpu.memory_space<vmem>>, vector<256xf32>
    %broadcast_in_dim3A_526 = vector.shape_cast %get3A_525 : vector<256xf32> to vector<1x256xf32>
    %add3A_527 = vector.broadcast %broadcast_in_dim3A_526 : vector<1x256xf32> to vector<64x256xf32>
    %add3A_528 = arith.addf %dot_general3A_523, %add3A_527 : vector<64x256xf32>
    %slice3A_529 = vector.extract_strided_slice %add3A_508 {offsets = [0, 0], sizes = [64, 64], strides = [1, 1]} : vector<64x256xf32> to vector<64x64xf32>
    %slice3A_530 = vector.extract_strided_slice %add3A_518 {offsets = [0, 0], sizes = [64, 64], strides = [1, 1]} : vector<64x256xf32> to vector<64x64xf32>
    %slice3A_531 = vector.extract_strided_slice %add3A_528 {offsets = [0, 0], sizes = [64, 64], strides = [1, 1]} : vector<64x256xf32> to vector<64x64xf32>
    %dot_general3A_532 = arith.constant dense<0.000000e+00> : vector<64x64xf32>
    %dot_general3A_533 = tpu.matmul %slice3A_529, %slice3A_530, %dot_general3A_532 {dimension_numbers = #tpu.dot_dimension_numbers<[1], [1], [0], [0], [0, 0, 1, 0], [], []>, transpose_lhs_hint = false} : vector<64x64xf32>, vector<64x64xf32>, vector<64x64xf32> -> vector<64x64xf32>
    %div3A_534 = arith.constant 8.000000e+00 : f32
    %div3A_535 = vector.broadcast %div3A_534 : f32 to vector<64x64xf32>
    %div3A_536 = arith.divf %dot_general3A_533, %div3A_535 : vector<64x64xf32>
    %reduce_max3A_537 = arith.constant dense<0xFF800000> : vector<64xf32>
    %reduce_max3A_538 = vector.multi_reduction <maximumf>, %div3A_536, %reduce_max3A_537 [1] : vector<64x64xf32> to vector<64xf32>
    %broadcast_in_dim3A_539 = vector.shape_cast %reduce_max3A_538 : vector<64xf32> to vector<64x1xf32>
    %sub3A_540 = vector.broadcast %broadcast_in_dim3A_539 : vector<64x1xf32> to vector<64x64xf32>
    %sub3A_541 = arith.subf %div3A_536, %sub3A_540 : vector<64x64xf32>
    %exp3A_542 = math.exp %sub3A_541 : vector<64x64xf32>
    %reduce_sum3A_543 = arith.constant dense<0.000000e+00> : vector<64xf32>
    %reduce_sum3A_544 = vector.multi_reduction <add>, %exp3A_542, %reduce_sum3A_543 [1] : vector<64x64xf32> to vector<64xf32>
    %broadcast_in_dim3A_545 = vector.shape_cast %reduce_sum3A_544 : vector<64xf32> to vector<64x1xf32>
    %div3A_546 = vector.broadcast %broadcast_in_dim3A_545 : vector<64x1xf32> to vector<64x64xf32>
    %div3A_547 = arith.divf %exp3A_542, %div3A_546 : vector<64x64xf32>
    %dot_general3A_548 = arith.constant dense<0.000000e+00> : vector<64x64xf32>
    %dot_general3A_549 = tpu.matmul %div3A_547, %slice3A_531, %dot_general3A_548 {dimension_numbers = #tpu.dot_dimension_numbers<[1], [0], [0], [1], [0, 0, 1, 1], [], []>, transpose_lhs_hint = false} : vector<64x64xf32>, vector<64x64xf32>, vector<64x64xf32> -> vector<64x64xf32>
    %slice3A_550 = vector.extract_strided_slice %add3A_508 {offsets = [0, 64], sizes = [64, 64], strides = [1, 1]} : vector<64x256xf32> to vector<64x64xf32>
    %slice3A_551 = vector.extract_strided_slice %add3A_518 {offsets = [0, 64], sizes = [64, 64], strides = [1, 1]} : vector<64x256xf32> to vector<64x64xf32>
    %slice3A_552 = vector.extract_strided_slice %add3A_528 {offsets = [0, 64], sizes = [64, 64], strides = [1, 1]} : vector<64x256xf32> to vector<64x64xf32>
    %dot_general3A_553 = arith.constant dense<0.000000e+00> : vector<64x64xf32>
    %dot_general3A_554 = tpu.matmul %slice3A_550, %slice3A_551, %dot_general3A_553 {dimension_numbers = #tpu.dot_dimension_numbers<[1], [1], [0], [0], [0, 0, 1, 0], [], []>, transpose_lhs_hint = false} : vector<64x64xf32>, vector<64x64xf32>, vector<64x64xf32> -> vector<64x64xf32>
    %div3A_555 = arith.constant 8.000000e+00 : f32
    %div3A_556 = vector.broadcast %div3A_555 : f32 to vector<64x64xf32>
    %div3A_557 = arith.divf %dot_general3A_554, %div3A_556 : vector<64x64xf32>
    %reduce_max3A_558 = arith.constant dense<0xFF800000> : vector<64xf32>
    %reduce_max3A_559 = vector.multi_reduction <maximumf>, %div3A_557, %reduce_max3A_558 [1] : vector<64x64xf32> to vector<64xf32>
    %broadcast_in_dim3A_560 = vector.shape_cast %reduce_max3A_559 : vector<64xf32> to vector<64x1xf32>
    %sub3A_561 = vector.broadcast %broadcast_in_dim3A_560 : vector<64x1xf32> to vector<64x64xf32>
    %sub3A_562 = arith.subf %div3A_557, %sub3A_561 : vector<64x64xf32>
    %exp3A_563 = math.exp %sub3A_562 : vector<64x64xf32>
    %reduce_sum3A_564 = arith.constant dense<0.000000e+00> : vector<64xf32>
    %reduce_sum3A_565 = vector.multi_reduction <add>, %exp3A_563, %reduce_sum3A_564 [1] : vector<64x64xf32> to vector<64xf32>
    %broadcast_in_dim3A_566 = vector.shape_cast %reduce_sum3A_565 : vector<64xf32> to vector<64x1xf32>
    %div3A_567 = vector.broadcast %broadcast_in_dim3A_566 : vector<64x1xf32> to vector<64x64xf32>
    %div3A_568 = arith.divf %exp3A_563, %div3A_567 : vector<64x64xf32>
    %dot_general3A_569 = arith.constant dense<0.000000e+00> : vector<64x64xf32>
    %dot_general3A_570 = tpu.matmul %div3A_568, %slice3A_552, %dot_general3A_569 {dimension_numbers = #tpu.dot_dimension_numbers<[1], [0], [0], [1], [0, 0, 1, 1], [], []>, transpose_lhs_hint = false} : vector<64x64xf32>, vector<64x64xf32>, vector<64x64xf32> -> vector<64x64xf32>
    %slice3A_571 = vector.extract_strided_slice %add3A_508 {offsets = [0, 128], sizes = [64, 64], strides = [1, 1]} : vector<64x256xf32> to vector<64x64xf32>
    %slice3A_572 = vector.extract_strided_slice %add3A_518 {offsets = [0, 128], sizes = [64, 64], strides = [1, 1]} : vector<64x256xf32> to vector<64x64xf32>
    %slice3A_573 = vector.extract_strided_slice %add3A_528 {offsets = [0, 128], sizes = [64, 64], strides = [1, 1]} : vector<64x256xf32> to vector<64x64xf32>
    %dot_general3A_574 = arith.constant dense<0.000000e+00> : vector<64x64xf32>
    %dot_general3A_575 = tpu.matmul %slice3A_571, %slice3A_572, %dot_general3A_574 {dimension_numbers = #tpu.dot_dimension_numbers<[1], [1], [0], [0], [0, 0, 1, 0], [], []>, transpose_lhs_hint = false} : vector<64x64xf32>, vector<64x64xf32>, vector<64x64xf32> -> vector<64x64xf32>
    %div3A_576 = arith.constant 8.000000e+00 : f32
    %div3A_577 = vector.broadcast %div3A_576 : f32 to vector<64x64xf32>
    %div3A_578 = arith.divf %dot_general3A_575, %div3A_577 : vector<64x64xf32>
    %reduce_max3A_579 = arith.constant dense<0xFF800000> : vector<64xf32>
    %reduce_max3A_580 = vector.multi_reduction <maximumf>, %div3A_578, %reduce_max3A_579 [1] : vector<64x64xf32> to vector<64xf32>
    %broadcast_in_dim3A_581 = vector.shape_cast %reduce_max3A_580 : vector<64xf32> to vector<64x1xf32>
    %sub3A_582 = vector.broadcast %broadcast_in_dim3A_581 : vector<64x1xf32> to vector<64x64xf32>
    %sub3A_583 = arith.subf %div3A_578, %sub3A_582 : vector<64x64xf32>
    %exp3A_584 = math.exp %sub3A_583 : vector<64x64xf32>
    %reduce_sum3A_585 = arith.constant dense<0.000000e+00> : vector<64xf32>
    %reduce_sum3A_586 = vector.multi_reduction <add>, %exp3A_584, %reduce_sum3A_585 [1] : vector<64x64xf32> to vector<64xf32>
    %broadcast_in_dim3A_587 = vector.shape_cast %reduce_sum3A_586 : vector<64xf32> to vector<64x1xf32>
    %div3A_588 = vector.broadcast %broadcast_in_dim3A_587 : vector<64x1xf32> to vector<64x64xf32>
    %div3A_589 = arith.divf %exp3A_584, %div3A_588 : vector<64x64xf32>
    %dot_general3A_590 = arith.constant dense<0.000000e+00> : vector<64x64xf32>
    %dot_general3A_591 = tpu.matmul %div3A_589, %slice3A_573, %dot_general3A_590 {dimension_numbers = #tpu.dot_dimension_numbers<[1], [0], [0], [1], [0, 0, 1, 1], [], []>, transpose_lhs_hint = false} : vector<64x64xf32>, vector<64x64xf32>, vector<64x64xf32> -> vector<64x64xf32>
    %slice3A_592 = vector.extract_strided_slice %add3A_508 {offsets = [0, 192], sizes = [64, 64], strides = [1, 1]} : vector<64x256xf32> to vector<64x64xf32>
    %slice3A_593 = vector.extract_strided_slice %add3A_518 {offsets = [0, 192], sizes = [64, 64], strides = [1, 1]} : vector<64x256xf32> to vector<64x64xf32>
    %slice3A_594 = vector.extract_strided_slice %add3A_528 {offsets = [0, 192], sizes = [64, 64], strides = [1, 1]} : vector<64x256xf32> to vector<64x64xf32>
    %dot_general3A_595 = arith.constant dense<0.000000e+00> : vector<64x64xf32>
    %dot_general3A_596 = tpu.matmul %slice3A_592, %slice3A_593, %dot_general3A_595 {dimension_numbers = #tpu.dot_dimension_numbers<[1], [1], [0], [0], [0, 0, 1, 0], [], []>, transpose_lhs_hint = false} : vector<64x64xf32>, vector<64x64xf32>, vector<64x64xf32> -> vector<64x64xf32>
    %div3A_597 = arith.constant 8.000000e+00 : f32
    %div3A_598 = vector.broadcast %div3A_597 : f32 to vector<64x64xf32>
    %div3A_599 = arith.divf %dot_general3A_596, %div3A_598 : vector<64x64xf32>
    %reduce_max3A_600 = arith.constant dense<0xFF800000> : vector<64xf32>
    %reduce_max3A_601 = vector.multi_reduction <maximumf>, %div3A_599, %reduce_max3A_600 [1] : vector<64x64xf32> to vector<64xf32>
    %broadcast_in_dim3A_602 = vector.shape_cast %reduce_max3A_601 : vector<64xf32> to vector<64x1xf32>
    %sub3A_603 = vector.broadcast %broadcast_in_dim3A_602 : vector<64x1xf32> to vector<64x64xf32>
    %sub3A_604 = arith.subf %div3A_599, %sub3A_603 : vector<64x64xf32>
    %exp3A_605 = math.exp %sub3A_604 : vector<64x64xf32>
    %reduce_sum3A_606 = arith.constant dense<0.000000e+00> : vector<64xf32>
    %reduce_sum3A_607 = vector.multi_reduction <add>, %exp3A_605, %reduce_sum3A_606 [1] : vector<64x64xf32> to vector<64xf32>
    %broadcast_in_dim3A_608 = vector.shape_cast %reduce_sum3A_607 : vector<64xf32> to vector<64x1xf32>
    %div3A_609 = vector.broadcast %broadcast_in_dim3A_608 : vector<64x1xf32> to vector<64x64xf32>
    %div3A_610 = arith.divf %exp3A_605, %div3A_609 : vector<64x64xf32>
    %dot_general3A_611 = arith.constant dense<0.000000e+00> : vector<64x64xf32>
    %dot_general3A_612 = tpu.matmul %div3A_610, %slice3A_594, %dot_general3A_611 {dimension_numbers = #tpu.dot_dimension_numbers<[1], [0], [0], [1], [0, 0, 1, 1], [], []>, transpose_lhs_hint = false} : vector<64x64xf32>, vector<64x64xf32>, vector<64x64xf32> -> vector<64x64xf32>
    %concatenate3A_613 = tpu.concatenate %dot_general3A_549, %dot_general3A_570, %dot_general3A_591, %dot_general3A_612 in 1 : vector<64x64xf32>, vector<64x64xf32>, vector<64x64xf32>, vector<64x64xf32> -> vector<64x256xf32>
    %get3A_614 = arith.constant 2 : index
    %get3A_615 = arith.constant 0 : index
    %get3A_616 = arith.constant 0 : index
    %get3A_617 = vector.load %arg13[%get3A_614, %get3A_615, %get3A_616] : memref<3x256x256xf32, #tpu.memory_space<vmem>>, vector<1x256x256xf32>
    %get3A_618 = vector.shape_cast %get3A_617 : vector<1x256x256xf32> to vector<256x256xf32>
    %dot_general3A_619 = arith.constant dense<0.000000e+00> : vector<64x256xf32>
    %dot_general3A_620 = tpu.matmul %concatenate3A_613, %get3A_618, %dot_general3A_619 {dimension_numbers = #tpu.dot_dimension_numbers<[1], [1], [0], [0], [0, 0, 1, 0], [], []>, transpose_lhs_hint = false} : vector<64x256xf32>, vector<256x256xf32>, vector<64x256xf32> -> vector<64x256xf32>
    %get3A_621 = arith.constant 0 : index
    %get3A_622 = arith.constant 0 : index
    %get3A_623 = vector.load %arg14[%get3A_621, %get3A_622] : memref<3x256xf32, #tpu.memory_space<vmem>>, vector<3x256xf32>
    %slice3A_624 = vector.extract_strided_slice %get3A_623 {offsets = [2, 0], sizes = [1, 256], strides = [1, 1]} : vector<3x256xf32> to vector<1x256xf32>
    %squeeze3A_625 = vector.shape_cast %slice3A_624 : vector<1x256xf32> to vector<256xf32>
    %broadcast_in_dim3A_626 = vector.shape_cast %squeeze3A_625 : vector<256xf32> to vector<1x256xf32>
    %add3A_627 = vector.broadcast %broadcast_in_dim3A_626 : vector<1x256xf32> to vector<64x256xf32>
    %add3A_628 = arith.addf %dot_general3A_620, %add3A_627 : vector<64x256xf32>
    %iota3A_629 = tpu.iota {dimensions = array<i32: 0>} : vector<1024x64xi32>
    %convert_element_type3A_630 = arith.sitofp %iota3A_629 : vector<1024x64xi32> to vector<1024x64xf32>
    %iota3A_631 = tpu.iota {dimensions = array<i32: 1>} : vector<1024x64xi32>
    %convert_element_type3A_632 = arith.sitofp %iota3A_631 : vector<1024x64xi32> to vector<1024x64xf32>
    %add3A_633 = arith.constant 5.000000e-01 : f32
    %add3A_634 = vector.broadcast %add3A_633 : f32 to vector<1024x64xf32>
    %add3A_635 = arith.addf %convert_element_type3A_630, %add3A_634 : vector<1024x64xf32>
    %mul3A_636 = arith.constant 6.250000e-02 : f32
    %mul3A_637 = vector.broadcast %mul3A_636 : f32 to vector<1024x64xf32>
    %mul3A_638 = arith.mulf %add3A_635, %mul3A_637 : vector<1024x64xf32>
    %sub3A_639 = arith.constant 5.000000e-01 : f32
    %sub3A_640 = vector.broadcast %sub3A_639 : f32 to vector<1024x64xf32>
    %sub3A_641 = arith.subf %mul3A_638, %sub3A_640 : vector<1024x64xf32>
    %jit3A_642 = arith.constant 0.000000e+00 : f32
    %jit3A_643 = arith.constant 6.300000e+01 : f32
    %max3A_644 = vector.broadcast %jit3A_642 : f32 to vector<1024x64xf32>
    %max3A_645 = arith.maximumf %max3A_644, %sub3A_641 : vector<1024x64xf32>
    %min3A_646 = vector.broadcast %jit3A_643 : f32 to vector<1024x64xf32>
    %min3A_647 = arith.minimumf %min3A_646, %max3A_645 : vector<1024x64xf32>
    %floor3A_648 = math.floor %min3A_647 : vector<1024x64xf32>
    %add3A_649 = arith.constant 1.000000e+00 : f32
    %add3A_650 = vector.broadcast %add3A_649 : f32 to vector<1024x64xf32>
    %add3A_651 = arith.addf %floor3A_648, %add3A_650 : vector<1024x64xf32>
    %min3A_652 = arith.constant 6.300000e+01 : f32
    %min3A_653 = vector.broadcast %min3A_652 : f32 to vector<1024x64xf32>
    %min3A_654 = arith.minimumf %add3A_651, %min3A_653 : vector<1024x64xf32>
    %sub3A_655 = arith.subf %min3A_647, %floor3A_648 : vector<1024x64xf32>
    %eq3A_656 = arith.cmpf oeq, %convert_element_type3A_632, %floor3A_648 : vector<1024x64xf32>
    %sub3A_657 = arith.constant 1.000000e+00 : f32
    %sub3A_658 = vector.broadcast %sub3A_657 : f32 to vector<1024x64xf32>
    %sub3A_659 = arith.subf %sub3A_658, %sub3A_655 : vector<1024x64xf32>
    %jit3A_660 = arith.constant 0.000000e+00 : f32
    %broadcast_in_dim3A_661 = vector.broadcast %jit3A_660 : f32 to vector<1024x64xf32>
    %select_n3A_662 = arith.select %eq3A_656, %sub3A_659, %broadcast_in_dim3A_661 : vector<1024x64xi1>, vector<1024x64xf32>
    %eq3A_663 = arith.cmpf oeq, %convert_element_type3A_632, %min3A_654 : vector<1024x64xf32>
    %jit3A_664 = arith.constant 0.000000e+00 : f32
    %broadcast_in_dim3A_665 = vector.broadcast %jit3A_664 : f32 to vector<1024x64xf32>
    %select_n3A_666 = arith.select %eq3A_663, %sub3A_655, %broadcast_in_dim3A_665 : vector<1024x64xi1>, vector<1024x64xf32>
    %add3A_667 = arith.addf %select_n3A_662, %select_n3A_666 : vector<1024x64xf32>
    %dot_general3A_668 = arith.constant dense<0.000000e+00> : vector<1024x256xf32>
    %dot_general3A_669 = tpu.matmul %add3A_667, %add3A_628, %dot_general3A_668 {dimension_numbers = #tpu.dot_dimension_numbers<[1], [0], [0], [1], [0, 0, 1, 1], [], []>, transpose_lhs_hint = false} : vector<1024x64xf32>, vector<64x256xf32>, vector<1024x256xf32> -> vector<1024x256xf32>
    %add3A_670 = arith.addf %add3A_457, %dot_general3A_669 : vector<1024x256xf32>
    %add3A_671 = arith.addf %select_n3A, %add3A_670 : vector<1024x256xf32>
    %reduce_sum3A_672 = arith.constant dense<0.000000e+00> : vector<1024xf32>
    %reduce_sum3A_673 = vector.multi_reduction <add>, %add3A_671, %reduce_sum3A_672 [1] : vector<1024x256xf32> to vector<1024xf32>
    %broadcast_in_dim3A_674 = vector.shape_cast %reduce_sum3A_673 : vector<1024xf32> to vector<1024x1xf32>
    %div3A_675 = arith.constant 2.560000e+02 : f32
    %div3A_676 = vector.broadcast %div3A_675 : f32 to vector<1024x1xf32>
    %div3A_677 = arith.divf %broadcast_in_dim3A_674, %div3A_676 : vector<1024x1xf32>
    %sub3A_678 = vector.broadcast %div3A_677 : vector<1024x1xf32> to vector<1024x256xf32>
    %sub3A_679 = arith.subf %add3A_671, %sub3A_678 : vector<1024x256xf32>
    %integer_pow3A = arith.mulf %sub3A_679, %sub3A_679 : vector<1024x256xf32>
    %reduce_sum3A_680 = arith.constant dense<0.000000e+00> : vector<1024xf32>
    %reduce_sum3A_681 = vector.multi_reduction <add>, %integer_pow3A, %reduce_sum3A_680 [1] : vector<1024x256xf32> to vector<1024xf32>
    %broadcast_in_dim3A_682 = vector.shape_cast %reduce_sum3A_681 : vector<1024xf32> to vector<1024x1xf32>
    %div3A_683 = arith.constant 2.560000e+02 : f32
    %div3A_684 = vector.broadcast %div3A_683 : f32 to vector<1024x1xf32>
    %div3A_685 = arith.divf %broadcast_in_dim3A_682, %div3A_684 : vector<1024x1xf32>
    %sub3A_686 = vector.broadcast %div3A_677 : vector<1024x1xf32> to vector<1024x256xf32>
    %sub3A_687 = arith.subf %add3A_671, %sub3A_686 : vector<1024x256xf32>
    %add3A_688 = arith.constant 9.99999974E-6 : f32
    %add3A_689 = vector.broadcast %add3A_688 : f32 to vector<1024x1xf32>
    %add3A_690 = arith.addf %div3A_685, %add3A_689 : vector<1024x1xf32>
    %sqrt3A_691 = math.sqrt %add3A_690 : vector<1024x1xf32>
    %div3A_692 = vector.broadcast %sqrt3A_691 : vector<1024x1xf32> to vector<1024x256xf32>
    %div3A_693 = arith.divf %sub3A_687, %div3A_692 : vector<1024x256xf32>
    %get3A_694 = arith.constant 0 : index
    %get3A_695 = vector.load %arg15[%get3A_694] : memref<256xf32, #tpu.memory_space<vmem>>, vector<256xf32>
    %broadcast_in_dim3A_696 = vector.shape_cast %get3A_695 : vector<256xf32> to vector<1x256xf32>
    %mul3A_697 = vector.broadcast %broadcast_in_dim3A_696 : vector<1x256xf32> to vector<1024x256xf32>
    %mul3A_698 = arith.mulf %div3A_693, %mul3A_697 : vector<1024x256xf32>
    %get3A_699 = arith.constant 0 : index
    %get3A_700 = vector.load %arg16[%get3A_699] : memref<256xf32, #tpu.memory_space<vmem>>, vector<256xf32>
    %broadcast_in_dim3A_701 = vector.shape_cast %get3A_700 : vector<256xf32> to vector<1x256xf32>
    %add3A_702 = vector.broadcast %broadcast_in_dim3A_701 : vector<1x256xf32> to vector<1024x256xf32>
    %add3A_703 = arith.addf %mul3A_698, %add3A_702 : vector<1024x256xf32>
    %swap3A = arith.constant 0 : index
    %swap3A_704 = arith.constant 0 : index
    %swap3A_705 = arith.constant 0 : index
    %swap3A_706 = vector.load %arg17[%swap3A, %swap3A_704, %swap3A_705] : memref<1x1024x256xf32, #tpu.memory_space<vmem>>, vector<1x1024x256xf32>
    %swap3A_707 = vector.shape_cast %swap3A_706 : vector<1x1024x256xf32> to vector<1024x256xf32>
    %swap3A_708 = vector.shape_cast %add3A_703 : vector<1024x256xf32> to vector<1x1024x256xf32>
    tpu.vector_store %arg17[%swap3A, %swap3A_704, %swap3A_705], %swap3A_708 {strides = array<i32>} : memref<1x1024x256xf32, #tpu.memory_space<vmem>>, vector<1x1024x256xf32>,
    return
  }
  func.func @transform_0(%arg0: i32) -> (i32, i32, i32) {
    %c0_i32 = arith.constant 0 : i32
    %c0_i32_0 = arith.constant 0 : i32
    %c0_i32_1 = arith.constant 0 : i32
    return %arg0, %c0_i32, %c0_i32_0 : i32, i32, i32
  }
  func.func @transform_1(%arg0: i32) -> (i32, i32, i32) {
    %c0_i32 = arith.constant 0 : i32
    %c0_i32_0 = arith.constant 0 : i32
    %c0_i32_1 = arith.constant 0 : i32
    return %arg0, %c0_i32, %c0_i32_0 : i32, i32, i32
  }
  func.func @transform_2(%arg0: i32) -> (i32, i32) {
    %c0_i32 = arith.constant 0 : i32
    %c0_i32_0 = arith.constant 0 : i32
    %c0_i32_1 = arith.constant 0 : i32
    return %c0_i32, %c0_i32_0 : i32, i32
  }
  func.func @transform_3(%arg0: i32) -> (i32, i32) {
    %c0_i32 = arith.constant 0 : i32
    %c0_i32_0 = arith.constant 0 : i32
    %c0_i32_1 = arith.constant 0 : i32
    return %c0_i32, %c0_i32_0 : i32, i32
  }
  func.func @transform_4(%arg0: i32) -> i32 {
    %c0_i32 = arith.constant 0 : i32
    %c0_i32_0 = arith.constant 0 : i32
    return %c0_i32 : i32
  }
  func.func @transform_5(%arg0: i32) -> i32 {
    %c0_i32 = arith.constant 0 : i32
    %c0_i32_0 = arith.constant 0 : i32
    return %c0_i32 : i32
  }
  func.func @transform_6(%arg0: i32) -> (i32, i32) {
    %c0_i32 = arith.constant 0 : i32
    %c0_i32_0 = arith.constant 0 : i32
    %c0_i32_1 = arith.constant 0 : i32
    return %c0_i32, %c0_i32_0 : i32, i32
  }
  func.func @transform_7(%arg0: i32) -> i32 {
    %c0_i32 = arith.constant 0 : i32
    %c0_i32_0 = arith.constant 0 : i32
    return %c0_i32 : i32
  }
  func.func @transform_8(%arg0: i32) -> (i32, i32) {
    %c0_i32 = arith.constant 0 : i32
    %c0_i32_0 = arith.constant 0 : i32
    %c0_i32_1 = arith.constant 0 : i32
    return %c0_i32, %c0_i32_0 : i32, i32
  }
  func.func @transform_9(%arg0: i32) -> i32 {
    %c0_i32 = arith.constant 0 : i32
    %c0_i32_0 = arith.constant 0 : i32
    return %c0_i32 : i32
  }
  func.func @transform_10(%arg0: i32) -> (i32, i32) {
    %c0_i32 = arith.constant 0 : i32
    %c0_i32_0 = arith.constant 0 : i32
    %c0_i32_1 = arith.constant 0 : i32
    return %c0_i32, %c0_i32_0 : i32, i32
  }
  func.func @transform_11(%arg0: i32) -> i32 {
    %c0_i32 = arith.constant 0 : i32
    %c0_i32_0 = arith.constant 0 : i32
    return %c0_i32 : i32
  }
  func.func @transform_12(%arg0: i32) -> (i32, i32, i32) {
    %c0_i32 = arith.constant 0 : i32
    %c0_i32_0 = arith.constant 0 : i32
    %c0_i32_1 = arith.constant 0 : i32
    %c0_i32_2 = arith.constant 0 : i32
    return %c0_i32, %c0_i32_0, %c0_i32_1 : i32, i32, i32
  }
  func.func @transform_13(%arg0: i32) -> (i32, i32) {
    %c0_i32 = arith.constant 0 : i32
    %c0_i32_0 = arith.constant 0 : i32
    %c0_i32_1 = arith.constant 0 : i32
    return %c0_i32, %c0_i32_0 : i32, i32
  }
  func.func @transform_14(%arg0: i32) -> i32 {
    %c0_i32 = arith.constant 0 : i32
    %c0_i32_0 = arith.constant 0 : i32
    return %c0_i32 : i32
  }
  func.func @transform_15(%arg0: i32) -> i32 {
    %c0_i32 = arith.constant 0 : i32
    %c0_i32_0 = arith.constant 0 : i32
    return %c0_i32 : i32
  }
  func.func @transform_16(%arg0: i32) -> (i32, i32, i32) {
    %c0_i32 = arith.constant 0 : i32
    %c0_i32_0 = arith.constant 0 : i32
    %c0_i32_1 = arith.constant 0 : i32
    return %arg0, %c0_i32, %c0_i32_0 : i32, i32, i32
  }
}

</mosaic_0001>

<sc_bundles>
// kernel: gather_offload_async_start.1
scs
__scs_entry_jumppad:
0x0: {  	(pc) =	sbr.rel $0x88, $3  }
0x1: {  	(tag) =	ssettag $0x0;
	lr =	simm.s32 $0x1  }
0x2: {  	[smem:$0x3F7F] =	sst lr;
	_ =	strace $0xD0000000  }
0x3: {  	_ = 	snop  }
0x4: {  	_ = 	snop  }
0x5: {  	_ = 	snop  }
0x6: {  	_ = 	snop  }
0x7: {  	_ = 	snop  }
__scs_overlays_trampoline_lowered:
0x8: {  	[smem:$0x3F8E] =	sst s0  }
0x9: {  	[smem:$0x3F8F] =	sst s1  }
0xa: {  	[smem:$0x3F90] =	sst s2  }
0xb: {  	[smem:$0x3F91] =	sst s3  }
0xc: {  	[smem:$0x3F92] =	sst s4  }
0xd: {  	[smem:$0x3F93] =	sst s5  }
0xe: {  	[smem:$0x3F94] =	sst s6  }
0xf: {  	[smem:$0x3F95] =	sst s7  }
0x10: {  	[smem:$0x3F96] =	sst s8  }
0x11: {  	[smem:$0x3F97] =	sst s9;
	s0 =	simm.s32 @!p0 $0x0  }
0x12: {  	s1 =	sld [smem:$0x3F7D];
	s0 =	simm.s32 @p0 $0x1  }
0x13: {  	[smem:$0x3F98] =	sst s0;
	s0 =	simm.s32 @!p1 $0x0  }
0x14: {  	s2 =	sld [smem:$0x3F7C];
	s0 =	simm.s32 @p1 $0x1  }
0x15: {  	[smem:$0x3F99] =	sst s0;
	s0 =	simm.s32 @!p2 $0x0  }
0x16: {  	s3 =	sld [smem:$0x3FDB];
	s0 =	simm.s32 @p2 $0x1  }
0x17: {  	s4 =	simm.s32 $0x1BF5;
	[smem:$0x3F9B] =	sst s0  }
0x18: {  	s0 =	sld [smem:$0x3F7E];
	_ =	swait.ge [sflag:s4], $0x0  }
0x19: {  	s7 =	sld [smem:$0x3F7F]  }
0x1a: {  	s8 =	sadd.s32 $0xFFFFE003, lr  }
0x1b: {  	s9 =	sadd.s32 $0xFFFFFEF7, lr;
	s5 =	simm.s32 $0xFFFFFFFF;
	p2 =	slt.u32 s8, $0xFFFFF086  }
0x1c: {  	p1 =	slt.u32 s9, $0xF7A;
	s5 =	simm.s32 @!p2 $0x0  }
0x1d: {  	s5 =	simm.s32 @p1 $0x1;
	p0 =	seq.s32 s7, s2  }
0x1e: {  	s7 =	smul.u32 @!p0 $0xF7A, s2;
	p2 =	seq.s32 @!p0 s5, $0x0  }
0x1f: {  	s9 =	smul.u32 $0xF7A, s1;
	s8 =	simm.s32 @!p0 $0x1BF5;
	p2 =	por !p2, p0  }
0x20: {  	[sflag:s8] =	ssyncset.s32 @!p0 $0xFFFFF086;
	s6 =	sadd.s32 @!p0 s3, s7;
	s7 =	simm.s32 @!p0 $0x108  }
0x21: {  	s3 =	sadd.s32 s3, s9;
	s6 =	sadd.s32 @!p0 $0x88, s6;
	s7 =	simm.s32 @p2 $0x1082  }
0x22: {  	[simem:s7], [sflag:s8] =	dma.local @!p0 [hbm:s6], $0xF7A  }
0x23: {  	s9 =	sor.u32 $0xD0000000, s2;
	s6 =	simm.s32 $0x108;
	_ =	swait.ge @!p0 [sflag:s8], $0x0  }
0x24: {  	s3 =	sadd.s32 $0x88, s3;
	s6 =	simm.s32 @!p1 $0x1082;
	[sflag:s4] =	ssyncset.s32 $0xFFFFF086  }
0x25: {  	[simem:s6], [sflag:s4] =	dma.local [hbm:s3], $0xF7A  }
0x26: {  	[smem:$0x3F7F] =	sst s1;
	(tag) =	ssettag s2;
	_ =	strace s9  }
0x27: {  	s1 =	sld [smem:$0x3F8F]  }
0x28: {  	s2 =	sld [smem:$0x3F90]  }
0x29: {  	s4 =	sld [smem:$0x3F92]  }
0x2a: {  	p0 =	seq.s32 s5, $0x0;
	s5 =	sld [smem:$0x3F93]  }
0x2b: {  	s6 =	sld [smem:$0x3F94]  }
0x2c: {  	s7 =	sld [smem:$0x3F95]  }
0x2d: {  	s3 =	simm.s32 $0x108;
	s8 =	sld [smem:$0x3F96]  }
0x2e: {  	s3 =	simm.s32 @!p0 $0x1082;
	s9 =	sld [smem:$0x3F97]  }
0x2f: {  	lr =	sadd.s32 s0, s3;
	s0 =	sld [smem:$0x3F8E]  }
0x30: {  	s3 =	sld [smem:$0x3F91]  }
0x31: {  	[smem:$0x3F9A] =	sst s10  }
0x32: {  	s10 =	sld [smem:$0x3F98];
	_ =	sdelay $0x3  }
0x33: {  	p0 =	seq.s32 s10, $0x1;
	s10 =	sld [smem:$0x3F9A];
	_ =	sdelay $0x3  }
0x34: {  	[smem:$0x3F9A] =	sst s10  }
0x35: {  	s10 =	sld [smem:$0x3F99];
	_ =	sdelay $0x3  }
0x36: {  	p1 =	seq.s32 s10, $0x1;
	s10 =	sld [smem:$0x3F9A];
	_ =	sdelay $0x3  }
0x37: {  	[smem:$0x3F9A] =	sst s10  }
0x38: {  	s10 =	sld [smem:$0x3F9B]  }
0x39: {  	_ = 	snop;
	(pc) =	sbr.ind lr, $3  }
0x3a: {  	_ = 	snop  }
0x3b: {  	_ = 	snop  }
0x3c: {  	p2 =	seq.s32 s10, $0x1;
	s10 =	sld [smem:$0x3F9A]  }
0x3d: {  	_ =	shalt  }
0x3e: {  	_ =	shalt  }
0x3f: {  	_ =	shalt  }
0x40: {  	_ =	shalt  }
0x41: {  	_ =	shalt  }
0x42: {  	_ =	shalt  }
0x43: {  	_ =	shalt  }
0x44: {  	_ =	shalt  }
0x45: {  	_ =	shalt  }
0x46: {  	_ =	shalt  }
0x47: {  	_ =	shalt  }
0x48: {  	_ =	shalt  }
0x49: {  	_ =	shalt  }
0x4a: {  	_ =	shalt  }
0x4b: {  	_ =	shalt  }
0x4c: {  	_ =	shalt  }
0x4d: {  	_ =	shalt  }
0x4e: {  	_ =	shalt  }
0x4f: {  	_ =	shalt  }
0x50: {  	_ =	shalt  }
0x51: {  	_ =	shalt  }
0x52: {  	_ =	shalt  }
0x53: {  	_ =	shalt  }
0x54: {  	_ =	shalt  }
0x55: {  	_ =	shalt  }
0x56: {  	_ =	shalt  }
0x57: {  	_ =	shalt  }
0x58: {  	_ =	shalt  }
0x59: {  	_ =	shalt  }
0x5a: {  	_ =	shalt  }
0x5b: {  	_ =	shalt  }
0x5c: {  	_ =	shalt  }
0x5d: {  	_ =	shalt  }
0x5e: {  	_ =	shalt  }
0x5f: {  	_ =	shalt  }
0x60: {  	_ =	shalt  }
0x61: {  	_ =	shalt  }
0x62: {  	_ =	shalt  }
0x63: {  	_ =	shalt  }
0x64: {  	_ =	shalt  }
0x65: {  	_ =	shalt  }
0x66: {  	_ =	shalt  }
0x67: {  	_ =	shalt  }
0x68: {  	_ =	shalt  }
0x69: {  	_ =	shalt  }
0x6a: {  	_ =	shalt  }
0x6b: {  	_ =	shalt  }
0x6c: {  	_ =	shalt  }
0x6d: {  	_ =	shalt  }
0x6e: {  	_ =	shalt  }
0x6f: {  	_ =	shalt  }
0x70: {  	_ =	shalt  }
0x71: {  	_ =	shalt  }
0x72: {  	_ =	shalt  }
0x73: {  	_ =	shalt  }
0x74: {  	_ =	shalt  }
0x75: {  	_ =	shalt  }
0x76: {  	_ =	shalt  }
0x77: {  	_ =	shalt  }
0x78: {  	_ =	shalt  }
0x79: {  	_ =	shalt  }
0x7a: {  	_ =	shalt  }
0x7b: {  	_ =	shalt  }
0x7c: {  	_ =	shalt  }
0x7d: {  	_ =	shalt  }
0x7e: {  	_ =	shalt  }
0x7f: {  	_ =	shalt  }
0x80: {  	_ =	shalt  }
0x81: {  	_ =	shalt  }
0x82: {  	_ =	shalt  }
0x83: {  	_ =	shalt  }
0x84: {  	_ =	shalt  }
0x85: {  	_ =	shalt  }
0x86: {  	_ =	shalt  }
0x87: {  	_ =	shalt  }
.Lfunc_end0:
.L_simem_size_0:
called_computation.1_lowered:
.L_overlay_start_0:
0x88: {  	s2 =	sld [smem:$0x3FD9]  }
0x89: {  	s3 =	sld [smem:$0x3FFE];
	_ =	sdelay $0x1  }
0x8a: {  	s1 =	srdreg.scid  }
0x8b: {  	s0 =	sand.u32 $0x1, s1  }
0x8c: {  	s14 =	sshll.u32 s0, $0xA;
	s2 =	sadd.s32 s3, s2  }
0x8d: {  	s2 =	sadd.s32 s2, s14  }
0x8e: {  	[smem:$0x3FA6] =	sst s2  }
0x8f: {  	_ = 	snop  }
0x90: {  	s2 =	sld [smem:$0x3FD0];
	_ =	sdelay $0x2  }
0x91: {  	s15 =	simm.s32 $0xA;
	s4 =	simm.s32 $0x10  }
0x92: {  	[smem:s4], [sflag:s15] =	dma.local [hbm:s2], $0x1  }
0x93: {  	_ =	swait.eq [sflag:s15], $0x1  }
0x94: {  	[sflag:s15] =	ssyncset.done $0x0  }
0x95: {  	s16 =	sld [smem:$0x10];
	[sflag:s15] =	ssyncadd.s32 $0xFFFFFFFF  }
0x96: {  	s17 =	sld [smem:$0x11];
	(tm) =	ssettm $0x1  }
0x97: {  	s18 =	sld [smem:$0x3FFB];
	_ =	sdelay $0x3  }
0x98: {  	_ =	strace s18  }
0x99: {  	s4 =	sld [smem:$0x3FFC];
	_ =	sdelay $0x3  }
0x9a: {  	_ =	strace s4  }
0x9b: {  	s4 =	sld [smem:$0x3FFD];
	_ =	sdelay $0x3  }
0x9c: {  	_ =	strace s4  }
0x9d: {  	_ =	strace $0x8FFFFFFF  }
0x9e: {  	s19 =	sld [smem:$0x3FDB];
	_ =	sdelay $0x1  }
0x9f: {  	s5 =	simm.s32 $_scs_section_size  }
0xa0: {  	s6 =	simm.s32 $_size__tile_overlayer_lowered;
	s7 =	simm.s32 $_tile_overlayer_lowered  }
0xa1: {  	s22 =	simm.s32 $0x1BFF;
	s21 =	sshll.u32 s7, $0x1;
	s4 =	sadd.s32 s5, s19  }
0xa2: {  	s8 =	simm.s32 $0x0;
	s20 =	sshll.u32 s6, $0x1;
	s6 =	sadd.s32 s21, s4  }
0xa3: {  	[timem:s8], [sflag:s22] =	dma.local [hbm:s6], s20  }
0xa4: {  	_ =	swait.ge [sflag:s22], s20  }
0xa5: {  	s5 =	ssub.s32 $0x0, s20;
	[sflag:s22] =	ssyncset.done $0x0  }
0xa6: {  	[sflag:s22] =	ssyncadd.s32 s5;
	_ =	sdelay $0x1  }
0xa7: {  	s23 =	simm.s32 $0x1B8B  }
0xa8: {  	_ =	swait.ge [sflag:s23], $0x1  }
0xa9: {  	[sflag:s23] =	ssyncset.done $0x0  }
0xaa: {  	s25 =	simm.s32 $0x1B8E;
	s24 =	sld [smem:$0x3FFE];
	[sflag:s23] =	ssyncadd.s32 $0xFFFFFFFF  }
0xab: {  	s26 =	simm.s32 $execute0_lowered;
	[smem:$0x3FD2] =	sst s25  }
0xac: {  	s6 =	sshll.u32 s26, $0x1;
	_ =	strace $0x80000046;
	[dreg:$0x1] =	wrdreg $0xFFFFFFFF  }
0xad: {  	s28 =	simm.s32 $_size_execute0_lowered;
	s4 =	sadd.s32 s4, s6;
	[dreg:$0x0] =	wrdreg $0x0  }
0xae: {  	s6 =	sshll.u32 s28, $0x1;
	[dreg:$0x2] =	wrdreg s4  }
0xaf: {  	[dreg:$0x3] =	wrdreg s6  }
0xb0: {  	[dreg:$0x4] =	wrdreg $0xC0  }
0xb1: {  	_ =	task [dreg:s8], $0x5FFFF  }
0xb2: {  	[dreg:$0x1] =	wrdreg $0xFFFFFFFF  }
0xb3: {  	[dreg:$0x0] =	wrdreg $0x60  }
0xb4: {  	[dreg:$0x2] =	wrdreg s24  }
0xb5: {  	[dreg:$0x3] =	wrdreg s16  }
0xb6: {  	[dreg:$0x4] =	wrdreg s17  }
0xb7: {  	[dreg:$0x5] =	wrdreg $0x9  }
0xb8: {  	_ =	task.clear_ibuf [dreg:s8], $0x6FFFF;
	_ =	strace $0x90000046  }
0xb9: {  	s29 =	simm.s32 $0x9;
	_ =	strace $0x80000048  }
0xba: {  	_ =	swait.ge [sflag:s29], $0x1  }
0xbb: {  	[sflag:s29] =	ssyncadd.s32 $0xFFFFFFFF  }
0xbc: {  	_ =	strace $0x90000048  }
0xbd: {  	_ =	sfence  }
0xbe: {  	s30 =	sld [smem:$0x0];
	_ =	sdelay $0x2  }
0xbf: {  	s31 =	sshll.u32 s1, $0xD;
	s1 =	sshrl.u32 s1, $0x2  }
0xc0: {  	s3 =	sand.u32 $0x4000, s31;
	s1 =	sadd.s32 s1, s30  }
0xc1: {  	s0 =	sor.u32 s3, s0;
	s1 =	sshll.u32 s1, $0x11  }
0xc2: {  	s0 =	sor.u32 s1, s0  }
0xc3: {  	s0 =	sadd.s32 $0x8F2B, s0  }
0xc4: {  	[sflag:s0] =	ssyncadd.remote.s32 $0x1  }
0xc5: {  	_ =	sfence.sel $0xFFFF  }
0xc6: {  	[dreg:$0x0] =	wrdreg $0xFFFFFFFF;
	(pc) =	sbr.abs _section_cstart, $3  }
0xc7: {  	[dreg:$0x1] =	wrdreg $0xFFFFFFFF  }
0xc8: {  	_ =	task.clear_ibuf [dreg:s8], $0x2FFFF;
	_ =	strace $0x9FFFFFFF  }
0xc9: {  	(tm) =	ssettm $0x7FFFFFFF  }
tec
execute0_lowered:
.L_overlay_start_1:
0x0: {  	(tag) =	ssettag $0x1  }
0x1: {  	s7 =	rddreg [dreg:$0x0]  }
0x2: {  	s2 =	rddreg [dreg:$0x1]  }
0x3: {  	s3 =	rddreg [dreg:$0x2]  }
0x4: {  	s0 =	rddreg [dreg:$0x3];
	s1 =	srdreg.scid;
	_ =	strace $0x80000047  }
0x5: {  	s4 =	simm.s32 $0x1;
	s9 =	simm.s32 $0x3;
	s5 =	sshll.u32 s1, $0x4  }
.Ltmp0:
0x6: {  	s1 =	stileid.u32;
	s5 =	sand.u32 $0x10, s5;
	(pc) =	sbr.rel .LBB2_1-.Ltmp0, $4  }
0x7: {  	s12 =	simm.s32 $0x0;
	s10 =	simm.s32 $0x0;
	s6 =	sor.u32 s1, s5  }
0x8: {  	[sflag:s4] =	ssyncpa.u1 $0x0;
	s5 =	simm.s32 $0x2;
	s6 =	sshll.u32 s6, $0x7  }
0x9: {  	s7 =	sadd.s32 $0x3600, s7;
	[sflag:s5] =	ssyncpa.u1 $0x0;
	s8 =	sadd.s32 $0x80, s6  }
0xa: {  	vm0 =	vmmov $0xff;
	vm1 =	vcmask $0x3F20;
	[sflag:s9] =	ssyncpa.u1 $0x0;
	s9 =	simm.s32 $0x80;
	s11 =	smov.u32 s6  }
.LBB2_9:
0xb: {  	p0 =	seq.s32 s10, $0x2  }
.Ltmp1:
0xc: {  	_ = 	snop;
	(pc) =	sbr.rel @p0 .LBB2_11-.Ltmp1, $1  }
0xd: {  	_ =	sdelay $0x3  }
.LBB2_10:
0xe: {  	s12 =	sadd.s32 $0x80, s11  }
0xf: {  	s13 =	smov.u32 s6;
	p0 =	slt.s32 s12, s8  }
0x10: {  	s13 =	smov.u32 @p0 s12  }
0x11: {  	s10 =	sadd.s32 $0x1, s10;
	s12 =	smov.u32 s11;
	s11 =	smov.u32 s13  }
.LBB2_1:
0x12: {  	p0 =	sne.s32 s10, $0x0  }
.Ltmp2:
0x13: {  	_ = 	snop;
	(pc) =	sbr.rel @!p0 .LBB2_2-.Ltmp2, $1  }
0x14: {  	_ =	sdelay $0x3  }
0x15: {  	s13 =	sand.u32 $0x1, s10  }
0x16: {  	p0 =	seq.s32 s13, $0x0  }
.Ltmp3:
0x17: {  	_ = 	snop;
	(pc) =	sbr.rel @p0 .LBB2_9-.Ltmp3, $1  }
0x18: {  	_ =	sdelay $0x3  }
0x19: {  	_ =	swait.ge [sflag:s5], $0x80  }
0x1a: {  	[sflag:s5] =	ssyncset.done $0x0  }
0x1b: {  	s13 =	simm.s32 $0x0;
	[sflag:s5] =	ssyncadd.s32 $0xFFFFFF80  }
0x1c: {  	v0 =	vld.msk [tilespmem:s13+$0x80 ss:$0x1], $0xffff;
	_ =	sdelay $0x4  }
0x1d: {  	v1 =	vshll.u32 v0, $0x5  }
0x1e: {  	vm2 =	veq.s32 v0, $0x80000000;
	v0 =	vshll.u32 v0, $0x15;
	v1 =	vand.u32 $0x1FFF80, v1  }
0x1f: {  	v0 =	vand.u32 $0x600000, v0;
	v1 =	vsel vm2, $0xFFFFFF80, v1  }
0x20: {  	v0 =	vsel vm2, $0xFFE00000, v0;
	v2 =	vand.u32 $0xFFFFFC00, v1  }
0x21: {  	v1 =	vand.u32 $0x380, v1;
	v0 =	vadd.s32 v0, v2  }
0x22: {  	v0 =	vor.u32 v1, v0  }
0x23: {  	v0 =	vshrl.u32 v0, $0x3;
	_ =	sdelay $0x3  }
0x24: {  	s13 =	simm.s32 $0x4100  }
0x25: {  	[tilespmem:s13], [sflag:$0x1] =	stream.indirect_vreg.gather [hbm:s7], $0x80, v0, vm0, $0x38;
	[tilespmem:$0x8100] =	vst v63  }
0x26: {  	s14 =	simm.s32 $0x4500;
	s31 =	simm.s32 $0x10  }
0x27: {  	[tilespmem:s14], [sflag:$0x1] =	stream.indirect_vreg.gather [hbm:s7], $0x80, v0, vm1, $0x38;
	[tilespmem:$0x8100] =	vst v63  }
0x28: {  	s14 =	simm.s32 $0x80;
	v0 =	vld.msk [tilespmem:s31+$0x80 ss:$0x1], $0xffff  }
.LBB2_5:
0x29: {  	p0 =	sne.s32 s14, $0x1C0;
	_ =	sdelay $0x4  }
0x2a: {  	v1 =	vshll.u32 v0, $0x5  }
0x2b: {  	vm2 =	veq.s32 v0, $0x80000000;
	v0 =	vshll.u32 v0, $0x15;
	v1 =	vand.u32 $0x1FFF80, v1  }
0x2c: {  	v0 =	vand.u32 $0x600000, v0;
	v1 =	vsel vm2, $0xFFFFFF80, v1  }
0x2d: {  	v0 =	vsel vm2, $0xFFE00000, v0;
	v2 =	vand.u32 $0xFFFFFC00, v1  }
0x2e: {  	v1 =	vand.u32 $0x380, v1;
	v0 =	vadd.s32 v0, v2  }
0x2f: {  	v0 =	vor.u32 v1, v0  }
0x30: {  	v0 =	vshrl.u32 v0, $0x3;
	_ =	sdelay $0x3  }
.Ltmp4:
0x31: {  	s13 =	sadd.s32 $0x800, s13;
	(pc) =	sbr.rel @p0 .LBB2_5-.Ltmp4, $4  }
0x32: {  	[tilespmem:s13], [sflag:$0x1] =	stream.indirect_vreg.gather [hbm:s7], $0x80, v0, vm0, $0x38;
	[tilespmem:$0x8100] =	vst v63  }
0x33: {  	s15 =	sshra.s32 s14, $0x2;
	s16 =	sadd.s32 $0x400, s13  }
0x34: {  	[tilespmem:s16], [sflag:$0x1] =	stream.indirect_vreg.gather [hbm:s7], $0x80, v0, vm1, $0x38;
	[tilespmem:$0x8100] =	vst v63  }
0x35: {  	s14 =	sadd.s32 $0x40, s14;
	v0 =	vld.msk [tilespmem:s15+$0x80 ss:$0x1], $0xffff  }
0x36: {  	_ =	sdelay $0x3  }
0x37: {  	v1 =	vshll.u32 v0, $0x5  }
0x38: {  	vm2 =	veq.s32 v0, $0x80000000;
	v63 =	vshll.u32 v0, $0x15;
	v1 =	vand.u32 $0x1FFF80, v1  }
0x39: {  	v0 =	vand.u32 $0x600000, v63;
	v1 =	vsel vm2, $0xFFFFFF80, v1  }
0x3a: {  	v0 =	vsel vm2, $0xFFE00000, v0;
	v2 =	vand.u32 $0xFFFFFC00, v1  }
0x3b: {  	v1 =	vand.u32 $0x380, v1;
	v0 =	vadd.s32 v0, v2  }
0x3c: {  	v0 =	vor.u32 v1, v0  }
0x3d: {  	v0 =	vshrl.u32 v0, $0x3;
	_ =	sdelay $0x3  }
0x3e: {  	s13 =	sadd.s32 $0x800, s13  }
0x3f: {  	[tilespmem:s13], [sflag:$0x1] =	stream.indirect_vreg.gather [hbm:s7], $0x80, v0, vm0, $0x38;
	[tilespmem:$0x8100] =	vst v63  }
0x40: {  	s13 =	sadd.s32 $0x400, s13  }
0x41: {  	[tilespmem:s13], [sflag:$0x1] =	stream.indirect_vreg.gather [hbm:s7], $0x80, v0, vm1, $0x38;
	[tilespmem:$0x8100] =	vst v63  }
0x42: {  	s12 =	sshll.u32 s12, $0x4;
	s14 =	simm.s32 $0x80;
	_ =	swait.ge [sflag:s4], $0x4000  }
0x43: {  	s15 =	simm.s32 $0x4500;
	s12 =	sadd.s32 s12, s3;
	[sflag:s4] =	ssyncset.done $0x0  }
0x44: {  	s16 =	sadd.s32 $0x0, s12;
	s13 =	simm.s32 $0x4100;
	[sflag:s4] =	ssyncadd.s32 $0xFFFFC000  }
.LBB2_7:
0x45: {  	[hbm:s16] =	stream.linear.scatter [tilespmem:s13], [sflag:$0x3], $0x400, $0x38;
	[tilespmem:$0x8100] =	vst v63  }
0x46: {  	s16 =	smov.u32 s14;
	s13 =	smov.u32 s15;
	p0 =	sne.s32 s14, $0x780  }
.Ltmp5:
0x47: {  	s14 =	sadd.s32 $0x80, s14;
	(pc) =	sbr.rel @p0 .LBB2_7-.Ltmp5, $2  }
0x48: {  	_ =	sdelay $0x2  }
0x49: {  	s15 =	sadd.s32 $0x400, s15;
	s16 =	sadd.s32 s16, s12  }
.Ltmp6:
0x4a: {  	(pc) =	sbr.rel .LBB2_9-.Ltmp6, $2  }
0x4b: {  	_ =	sdelay $0x2  }
0x4c: {  	[hbm:s16] =	stream.linear.scatter [tilespmem:s13], [sflag:$0x3], $0x400, $0x38;
	[tilespmem:$0x8100] =	vst v63  }
.LBB2_2:
.Ltmp7:
0x4d: {  	(pc) =	sbr.rel .LBB2_10-.Ltmp7, $4  }
0x4e: {  	_ = 	snop  }
0x4f: {  	s12 =	sshrl.u32 s11, $0x3  }
0x50: {  	s13 =	sand.u32 $0x7, s11;
	s12 =	sadd.s32 s2, s12  }
0x51: {  	[tilespmem:s9], [sflag:$0x2] =	stream.linear.gather [hbm4b:s12+s13], $0x80, $0x38;
	[tilespmem:$0x8100] =	vst v63  }
.LBB2_11:
0x52: {  	s2 =	simm.s32 $0x3  }
0x53: {  	_ =	swait.ge [sflag:s2], $0x4000  }
0x54: {  	[sflag:s2] =	ssyncset.done $0x0  }
0x55: {  	[sflag:s2] =	ssyncadd.s32 $0xFFFFC000  }
0x56: {  	_ =	sfence.sel $0x180000  }
0x57: {  	s3 =	simm.s32 $0x2;
	[bflag:$0x0] =	sbarrier.arrive $0xFFFF  }
0x58: {  	[sflag:s3] =	ssyncpa.u1 $0x1  }
0x59: {  	s31 =	simm.s32 $0x1;
	[sflag:s2] =	ssyncpa.u1 $0x1  }
0x5a: {  	[sflag:s31] =	ssyncpa.u1 $0x1  }
0x5b: {  	p0 =	sne.s32 s1, $0x0;
	_ =	strace $0x90000047  }
0x5c: {  	s0 =	sadd.s32 @!p0 $0x100000, s0;
	[bflag:$0x2] =	sbarrier.arrive $0xFFFF  }
0x5d: {  	[sflag:s0] =	ssyncadd.tile.s32 @!p0 $0x1;
	_ =	shalt  }
.Lfunc_end2:
_tile_overlayer_lowered:
.L_overlay_start_2:
0x5e: {  	(tag) =	ssettag $0x2  }
0x5f: {  	s0 =	rddreg [dreg:$0x0];
	s2 =	stileid.u32  }
0x60: {  	s1 =	rddreg [dreg:$0x1];
	p0 =	sne.s32 s2, $0x0  }
0x61: {  	s3 =	rddreg [dreg:$0x2];
	[bflag:$0x3] =	sbarrier.arrive $0xFFFF;
	s2 =	simm.s32 @!p0 $0x1C01  }
0x62: {  	[timem:s3], [sflag:s2] =	dma.local @!p0 [hbm:s0], s1  }
0x63: {  	s0 =	simm.s32 @!p0 $0x1  }
0x64: {  	_ =	swait.ge @!p0 [sflag:s0], s1  }
0x65: {  	s1 =	ssub.s32 @!p0 $0x0, s1;
	[sflag:s0] =	ssyncset.done @!p0 $0x0  }
0x66: {  	[sflag:s0] =	ssyncadd.s32 @!p0 s1  }
0x67: {  	[bflag:$0x3] =	sbarrier.arrive $0xFFFF  }
0x68: {  	_ =	shalt  }

// kernel: gather_offload_async_start
scs
__scs_entry_jumppad:
0x0: {  	(pc) =	sbr.rel $0x88, $3  }
0x1: {  	(tag) =	ssettag $0x0;
	lr =	simm.s32 $0x1  }
0x2: {  	[smem:$0x3F7F] =	sst lr;
	_ =	strace $0xD0000000  }
0x3: {  	_ = 	snop  }
0x4: {  	_ = 	snop  }
0x5: {  	_ = 	snop  }
0x6: {  	_ = 	snop  }
0x7: {  	_ = 	snop  }
__scs_overlays_trampoline_lowered:
0x8: {  	[smem:$0x3F8E] =	sst s0  }
0x9: {  	[smem:$0x3F8F] =	sst s1  }
0xa: {  	[smem:$0x3F90] =	sst s2  }
0xb: {  	[smem:$0x3F91] =	sst s3  }
0xc: {  	[smem:$0x3F92] =	sst s4  }
0xd: {  	[smem:$0x3F93] =	sst s5  }
0xe: {  	[smem:$0x3F94] =	sst s6  }
0xf: {  	[smem:$0x3F95] =	sst s7  }
0x10: {  	[smem:$0x3F96] =	sst s8  }
0x11: {  	[smem:$0x3F97] =	sst s9;
	s0 =	simm.s32 @!p0 $0x0  }
0x12: {  	s1 =	sld [smem:$0x3F7D];
	s0 =	simm.s32 @p0 $0x1  }
0x13: {  	[smem:$0x3F98] =	sst s0;
	s0 =	simm.s32 @!p1 $0x0  }
0x14: {  	s2 =	sld [smem:$0x3F7C];
	s0 =	simm.s32 @p1 $0x1  }
0x15: {  	[smem:$0x3F99] =	sst s0;
	s0 =	simm.s32 @!p2 $0x0  }
0x16: {  	s3 =	sld [smem:$0x3FDB];
	s0 =	simm.s32 @p2 $0x1  }
0x17: {  	s4 =	simm.s32 $0x1BF5;
	[smem:$0x3F9B] =	sst s0  }
0x18: {  	s0 =	sld [smem:$0x3F7E];
	_ =	swait.ge [sflag:s4], $0x0  }
0x19: {  	s7 =	sld [smem:$0x3F7F]  }
0x1a: {  	s8 =	sadd.s32 $0xFFFFE003, lr  }
0x1b: {  	s9 =	sadd.s32 $0xFFFFFEF7, lr;
	s5 =	simm.s32 $0xFFFFFFFF;
	p2 =	slt.u32 s8, $0xFFFFF086  }
0x1c: {  	p1 =	slt.u32 s9, $0xF7A;
	s5 =	simm.s32 @!p2 $0x0  }
0x1d: {  	s5 =	simm.s32 @p1 $0x1;
	p0 =	seq.s32 s7, s2  }
0x1e: {  	s7 =	smul.u32 @!p0 $0xF7A, s2;
	p2 =	seq.s32 @!p0 s5, $0x0  }
0x1f: {  	s9 =	smul.u32 $0xF7A, s1;
	s8 =	simm.s32 @!p0 $0x1BF5;
	p2 =	por !p2, p0  }
0x20: {  	[sflag:s8] =	ssyncset.s32 @!p0 $0xFFFFF086;
	s6 =	sadd.s32 @!p0 s3, s7;
	s7 =	simm.s32 @!p0 $0x108  }
0x21: {  	s3 =	sadd.s32 s3, s9;
	s6 =	sadd.s32 @!p0 $0x88, s6;
	s7 =	simm.s32 @p2 $0x1082  }
0x22: {  	[simem:s7], [sflag:s8] =	dma.local @!p0 [hbm:s6], $0xF7A  }
0x23: {  	s9 =	sor.u32 $0xD0000000, s2;
	s6 =	simm.s32 $0x108;
	_ =	swait.ge @!p0 [sflag:s8], $0x0  }
0x24: {  	s3 =	sadd.s32 $0x88, s3;
	s6 =	simm.s32 @!p1 $0x1082;
	[sflag:s4] =	ssyncset.s32 $0xFFFFF086  }
0x25: {  	[simem:s6], [sflag:s4] =	dma.local [hbm:s3], $0xF7A  }
0x26: {  	[smem:$0x3F7F] =	sst s1;
	(tag) =	ssettag s2;
	_ =	strace s9  }
0x27: {  	s1 =	sld [smem:$0x3F8F]  }
0x28: {  	s2 =	sld [smem:$0x3F90]  }
0x29: {  	s4 =	sld [smem:$0x3F92]  }
0x2a: {  	p0 =	seq.s32 s5, $0x0;
	s5 =	sld [smem:$0x3F93]  }
0x2b: {  	s6 =	sld [smem:$0x3F94]  }
0x2c: {  	s7 =	sld [smem:$0x3F95]  }
0x2d: {  	s3 =	simm.s32 $0x108;
	s8 =	sld [smem:$0x3F96]  }
0x2e: {  	s3 =	simm.s32 @!p0 $0x1082;
	s9 =	sld [smem:$0x3F97]  }
0x2f: {  	lr =	sadd.s32 s0, s3;
	s0 =	sld [smem:$0x3F8E]  }
0x30: {  	s3 =	sld [smem:$0x3F91]  }
0x31: {  	[smem:$0x3F9A] =	sst s10  }
0x32: {  	s10 =	sld [smem:$0x3F98];
	_ =	sdelay $0x3  }
0x33: {  	p0 =	seq.s32 s10, $0x1;
	s10 =	sld [smem:$0x3F9A];
	_ =	sdelay $0x3  }
0x34: {  	[smem:$0x3F9A] =	sst s10  }
0x35: {  	s10 =	sld [smem:$0x3F99];
	_ =	sdelay $0x3  }
0x36: {  	p1 =	seq.s32 s10, $0x1;
	s10 =	sld [smem:$0x3F9A];
	_ =	sdelay $0x3  }
0x37: {  	[smem:$0x3F9A] =	sst s10  }
0x38: {  	s10 =	sld [smem:$0x3F9B]  }
0x39: {  	_ = 	snop;
	(pc) =	sbr.ind lr, $3  }
0x3a: {  	_ = 	snop  }
0x3b: {  	_ = 	snop  }
0x3c: {  	p2 =	seq.s32 s10, $0x1;
	s10 =	sld [smem:$0x3F9A]  }
0x3d: {  	_ =	shalt  }
0x3e: {  	_ =	shalt  }
0x3f: {  	_ =	shalt  }
0x40: {  	_ =	shalt  }
0x41: {  	_ =	shalt  }
0x42: {  	_ =	shalt  }
0x43: {  	_ =	shalt  }
0x44: {  	_ =	shalt  }
0x45: {  	_ =	shalt  }
0x46: {  	_ =	shalt  }
0x47: {  	_ =	shalt  }
0x48: {  	_ =	shalt  }
0x49: {  	_ =	shalt  }
0x4a: {  	_ =	shalt  }
0x4b: {  	_ =	shalt  }
0x4c: {  	_ =	shalt  }
0x4d: {  	_ =	shalt  }
0x4e: {  	_ =	shalt  }
0x4f: {  	_ =	shalt  }
0x50: {  	_ =	shalt  }
0x51: {  	_ =	shalt  }
0x52: {  	_ =	shalt  }
0x53: {  	_ =	shalt  }
0x54: {  	_ =	shalt  }
0x55: {  	_ =	shalt  }
0x56: {  	_ =	shalt  }
0x57: {  	_ =	shalt  }
0x58: {  	_ =	shalt  }
0x59: {  	_ =	shalt  }
0x5a: {  	_ =	shalt  }
0x5b: {  	_ =	shalt  }
0x5c: {  	_ =	shalt  }
0x5d: {  	_ =	shalt  }
0x5e: {  	_ =	shalt  }
0x5f: {  	_ =	shalt  }
0x60: {  	_ =	shalt  }
0x61: {  	_ =	shalt  }
0x62: {  	_ =	shalt  }
0x63: {  	_ =	shalt  }
0x64: {  	_ =	shalt  }
0x65: {  	_ =	shalt  }
0x66: {  	_ =	shalt  }
0x67: {  	_ =	shalt  }
0x68: {  	_ =	shalt  }
0x69: {  	_ =	shalt  }
0x6a: {  	_ =	shalt  }
0x6b: {  	_ =	shalt  }
0x6c: {  	_ =	shalt  }
0x6d: {  	_ =	shalt  }
0x6e: {  	_ =	shalt  }
0x6f: {  	_ =	shalt  }
0x70: {  	_ =	shalt  }
0x71: {  	_ =	shalt  }
0x72: {  	_ =	shalt  }
0x73: {  	_ =	shalt  }
0x74: {  	_ =	shalt  }
0x75: {  	_ =	shalt  }
0x76: {  	_ =	shalt  }
0x77: {  	_ =	shalt  }
0x78: {  	_ =	shalt  }
0x79: {  	_ =	shalt  }
0x7a: {  	_ =	shalt  }
0x7b: {  	_ =	shalt  }
0x7c: {  	_ =	shalt  }
0x7d: {  	_ =	shalt  }
0x7e: {  	_ =	shalt  }
0x7f: {  	_ =	shalt  }
0x80: {  	_ =	shalt  }
0x81: {  	_ =	shalt  }
0x82: {  	_ =	shalt  }
0x83: {  	_ =	shalt  }
0x84: {  	_ =	shalt  }
0x85: {  	_ =	shalt  }
0x86: {  	_ =	shalt  }
0x87: {  	_ =	shalt  }
.Lfunc_end0:
.L_simem_size_0:
called_computation_lowered:
.L_overlay_start_0:
0x88: {  	s2 =	sld [smem:$0x3FD9]  }
0x89: {  	s3 =	sld [smem:$0x3FFE];
	_ =	sdelay $0x1  }
0x8a: {  	s1 =	srdreg.scid  }
0x8b: {  	s0 =	sand.u32 $0x1, s1  }
0x8c: {  	s14 =	sshll.u32 s0, $0xA;
	s2 =	sadd.s32 s3, s2  }
0x8d: {  	s2 =	sadd.s32 s2, s14  }
0x8e: {  	[smem:$0x3FA6] =	sst s2  }
0x8f: {  	_ = 	snop  }
0x90: {  	s2 =	sld [smem:$0x3FD0];
	_ =	sdelay $0x2  }
0x91: {  	s15 =	simm.s32 $0xA;
	s4 =	simm.s32 $0x10  }
0x92: {  	[smem:s4], [sflag:s15] =	dma.local [hbm:s2], $0x1  }
0x93: {  	_ =	swait.eq [sflag:s15], $0x1  }
0x94: {  	[sflag:s15] =	ssyncset.done $0x0  }
0x95: {  	[sflag:s15] =	ssyncadd.s32 $0xFFFFFFFF  }
0x96: {  	s16 =	sld [smem:$0x11];
	(tm) =	ssettm $0x1  }
0x97: {  	s17 =	sld [smem:$0x3FFB];
	_ =	sdelay $0x3  }
0x98: {  	_ =	strace s17  }
0x99: {  	s3 =	sld [smem:$0x3FFC];
	_ =	sdelay $0x3  }
0x9a: {  	_ =	strace s3  }
0x9b: {  	s3 =	sld [smem:$0x3FFD];
	_ =	sdelay $0x3  }
0x9c: {  	_ =	strace s3  }
0x9d: {  	_ =	strace $0x8FFFFFFF  }
0x9e: {  	s18 =	sld [smem:$0x3FDB];
	_ =	sdelay $0x1  }
0x9f: {  	s19 =	simm.s32 $_scs_section_size  }
0xa0: {  	s5 =	simm.s32 $_size__tile_overlayer_lowered;
	s6 =	simm.s32 $_tile_overlayer_lowered  }
0xa1: {  	s22 =	simm.s32 $0x1BFF;
	s21 =	sshll.u32 s6, $0x1;
	s3 =	sadd.s32 s19, s18  }
0xa2: {  	s7 =	simm.s32 $0x0;
	s20 =	sshll.u32 s5, $0x1;
	s5 =	sadd.s32 s21, s3  }
0xa3: {  	[timem:s7], [sflag:s22] =	dma.local [hbm:s5], s20  }
0xa4: {  	_ =	swait.ge [sflag:s22], s20  }
0xa5: {  	s4 =	ssub.s32 $0x0, s20;
	[sflag:s22] =	ssyncset.done $0x0  }
0xa6: {  	[sflag:s22] =	ssyncadd.s32 s4;
	_ =	sdelay $0x1  }
0xa7: {  	s23 =	simm.s32 $0x1B8B  }
0xa8: {  	_ =	swait.ge [sflag:s23], $0x1  }
0xa9: {  	[sflag:s23] =	ssyncset.done $0x0  }
0xaa: {  	s25 =	simm.s32 $0x1B8E;
	s24 =	sld [smem:$0x3FFE];
	[sflag:s23] =	ssyncadd.s32 $0xFFFFFFFF  }
0xab: {  	s26 =	simm.s32 $execute0_lowered;
	[smem:$0x3FD2] =	sst s25  }
0xac: {  	s5 =	sshll.u32 s26, $0x1;
	_ =	strace $0x80000049;
	[dreg:$0x1] =	wrdreg $0xFFFFFFFF  }
0xad: {  	s28 =	simm.s32 $_size_execute0_lowered;
	s3 =	sadd.s32 s3, s5;
	[dreg:$0x0] =	wrdreg $0x0  }
0xae: {  	s5 =	sshll.u32 s28, $0x1;
	[dreg:$0x2] =	wrdreg s3  }
0xaf: {  	[dreg:$0x3] =	wrdreg s5  }
0xb0: {  	[dreg:$0x4] =	wrdreg $0xC0  }
0xb1: {  	_ =	task [dreg:s7], $0x5FFFF  }
0xb2: {  	[dreg:$0x1] =	wrdreg $0xFFFFFFFF  }
0xb3: {  	[dreg:$0x0] =	wrdreg $0x60  }
0xb4: {  	[dreg:$0x2] =	wrdreg s24  }
0xb5: {  	[dreg:$0x3] =	wrdreg s16  }
0xb6: {  	[dreg:$0x4] =	wrdreg $0x9  }
0xb7: {  	_ =	task.clear_ibuf [dreg:s7], $0x5FFFF;
	_ =	strace $0x90000049  }
0xb8: {  	s29 =	simm.s32 $0x9;
	_ =	strace $0x8000004B  }
0xb9: {  	_ =	swait.ge [sflag:s29], $0x1  }
0xba: {  	[sflag:s29] =	ssyncadd.s32 $0xFFFFFFFF  }
0xbb: {  	_ =	strace $0x9000004B  }
0xbc: {  	_ =	sfence  }
0xbd: {  	s30 =	sld [smem:$0x0];
	_ =	sdelay $0x2  }
0xbe: {  	s31 =	sshll.u32 s1, $0xD;
	s1 =	sshrl.u32 s1, $0x2  }
0xbf: {  	s3 =	sand.u32 $0x4000, s31;
	s1 =	sadd.s32 s1, s30  }
0xc0: {  	s0 =	sor.u32 s3, s0;
	s1 =	sshll.u32 s1, $0x11  }
0xc1: {  	s0 =	sor.u32 s1, s0  }
0xc2: {  	s0 =	sadd.s32 $0x8F2B, s0  }
0xc3: {  	[sflag:s0] =	ssyncadd.remote.s32 $0x1  }
0xc4: {  	_ =	sfence.sel $0xFFFF  }
0xc5: {  	[dreg:$0x0] =	wrdreg $0xFFFFFFFF;
	(pc) =	sbr.abs _section_cstart, $3  }
0xc6: {  	[dreg:$0x1] =	wrdreg $0xFFFFFFFF  }
0xc7: {  	_ =	task.clear_ibuf [dreg:s7], $0x2FFFF;
	_ =	strace $0x9FFFFFFF  }
0xc8: {  	(tm) =	ssettm $0x7FFFFFFF  }
0xc9: {  	_ =	shalt  }
tec
execute0_lowered:
.L_overlay_start_1:
0x0: {  	(tag) =	ssettag $0x1  }
0x1: {  	s7 =	rddreg [dreg:$0x0]  }
0x2: {  	s2 =	rddreg [dreg:$0x1]  }
0x3: {  	s0 =	rddreg [dreg:$0x2]  }
0x4: {  	s1 =	srdreg.scid;
	_ =	strace $0x8000004A;
	s4 =	simm.s32 $0x1  }
0x5: {  	s9 =	simm.s32 $0x3;
	s11 =	simm.s32 $0x0;
	s5 =	sshll.u32 s1, $0x4  }
.Ltmp0:
0x6: {  	s1 =	stileid.u32;
	s5 =	sand.u32 $0x10, s5;
	(pc) =	sbr.rel .LBB2_1-.Ltmp0, $4  }
0x7: {  	p0 =	por $0x0, $0x0;
	s3 =	sadd.s32 $0x40A800, s7;
	s6 =	sor.u32 s1, s5  }
0x8: {  	[sflag:s4] =	ssyncpa.u1 $0x0;
	s5 =	simm.s32 $0x2;
	s6 =	sshll.u32 s6, $0xC  }
0x9: {  	s7 =	sadd.s32 $0x50A800, s7;
	[sflag:s5] =	ssyncpa.u1 $0x0;
	s8 =	sadd.s32 $0x1000, s6  }
0xa: {  	vm0 =	vmmov $0xff;
	vm1 =	vcmask $0x3F20;
	[sflag:s9] =	ssyncpa.u1 $0x0;
	s10 =	smov.u32 s6;
	s9 =	simm.s32 $0x0  }
.LBB2_7:
0xb: {  	p1 =	slt.u32 s9, $0x2;
	s11 =	sadd.s32 $0x100, s10  }
0xc: {  	s13 =	smov.u32 s6;
	s9 =	sadd.s32 $0x1, s9;
	p2 =	slt.s32 s11, s8  }
0xd: {  	s13 =	smov.u32 @p2 s11;
	p2 =	sne.s32 s9, $0x12  }
.Ltmp1:
0xe: {  	_ = 	snop;
	(pc) =	sbr.rel @!p2 .LBB2_8-.Ltmp1, $4  }
0xf: {  	s12 =	simm.s32 @!p1 $0x3  }
0x10: {  	_ =	swait.ge @!p1 [sflag:s12], $0x8000  }
0x11: {  	p0 =	por !p0, !p0;
	[sflag:s12] =	ssyncset.done @!p1 $0x0  }
0x12: {  	s11 =	smov.u32 s10;
	s10 =	smov.u32 s13;
	[sflag:s12] =	ssyncadd.s32 @!p1 $0xFFFF8000  }
.LBB2_1:
0x13: {  	p1 =	sgt.u32 s9, $0xF  }
0x14: {  	s12 =	sxor.u32 @!p1 $0xFFFFFFFF, s9  }
0x15: {  	s13 =	sshrl.u32 @!p1 s10, $0x3;
	s12 =	sshll.u32 @!p1 s12, $0x8  }
0x16: {  	s14 =	sand.u32 @!p1 $0x7, s10;
	s13 =	sadd.s32 @!p1 s2, s13;
	s12 =	sand.u32 @!p1 $0x100, s12  }
0x17: {  	[tilespmem:s12], [sflag:$0x2] =	stream.linear.gather @!p1 [hbm4b:s13+s14], $0x100, $0x38;
	[tilespmem:$0x10200] =	vst v63  }
0x18: {  	p1 =	seq.s32 s9, $0x0  }
0x19: {  	p2 =	seq.s32 @!p1 s9, $0x11  }
0x1a: {  	p1 =	por p1, p2  }
.Ltmp2:
0x1b: {  	_ = 	snop;
	(pc) =	sbr.rel @p1 .LBB2_7-.Ltmp2, $1  }
0x1c: {  	_ =	sdelay $0x3  }
0x1d: {  	s12 =	simm.s32 $0x1  }
0x1e: {  	_ =	swait.ge [sflag:s5], $0x100;
	s12 =	simm.s32 @!p0 $0x0  }
0x1f: {  	[sflag:s5] =	ssyncset.done $0x0;
	s14 =	sshll.u32 s12, $0x8  }
0x20: {  	[sflag:s5] =	ssyncadd.s32 $0xFFFFFF00;
	s13 =	sadd.s32 $0x0, s14  }
0x21: {  	v0 =	vld.msk [tilespmem:s13+$0x0 ss:$0x1], $0xffff;
	_ =	sdelay $0x4  }
0x22: {  	vm2 =	vgt.s32 v0, $0x0  }
0x23: {  	v0 =	vnsel vm2, $0x0, v0  }
0x24: {  	v0 =	vmin.u32 v0, $0xFFFF  }
0x25: {  	v0 =	vshll.u32 v0, $0x4;
	_ =	sdelay $0x2  }
0x26: {  	s12 =	sshll.u32 s12, $0xF  }
0x27: {  	s12 =	sor.u32 $0x200, s12  }
0x28: {  	[tilespmem:s12], [sflag:$0x1] =	stream.indirect_vreg.gather [hbm:s3], $0x80, v0, vm0, $0x38;
	[tilespmem:$0x10200] =	vst v63  }
0x29: {  	s15 =	sadd.s32 $0x10, s14;
	s13 =	sadd.s32 $0x400, s12  }
0x2a: {  	[tilespmem:s13], [sflag:$0x1] =	stream.indirect_vreg.gather [hbm:s3], $0x80, v0, vm1, $0x38;
	[tilespmem:$0x10200] =	vst v63  }
0x2b: {  	s16 =	simm.s32 $0x80;
	v0 =	vld.msk [tilespmem:s15+$0x0 ss:$0x1], $0xffff;
	s15 =	smov.u32 s12  }
.LBB2_3:
0x2c: {  	p1 =	sne.s32 s16, $0x3C0;
	_ =	sdelay $0x4  }
0x2d: {  	vm2 =	vgt.s32 v0, $0x0  }
0x2e: {  	v0 =	vnsel vm2, $0x0, v0  }
0x2f: {  	v0 =	vmin.u32 v0, $0xFFFF  }
0x30: {  	v0 =	vshll.u32 v0, $0x4;
	_ =	sdelay $0x3  }
.Ltmp3:
0x31: {  	s17 =	sshra.s32 s16, $0x2;
	s15 =	sadd.s32 $0x800, s15;
	(pc) =	sbr.rel @p1 .LBB2_3-.Ltmp3, $4  }
0x32: {  	[tilespmem:s15], [sflag:$0x1] =	stream.indirect_vreg.gather [hbm:s3], $0x80, v0, vm0, $0x38;
	[tilespmem:$0x10200] =	vst v63  }
0x33: {  	s17 =	sadd.s32 s17, s14;
	s18 =	sadd.s32 $0x400, s15  }
0x34: {  	[tilespmem:s18], [sflag:$0x1] =	stream.indirect_vreg.gather [hbm:s3], $0x80, v0, vm1, $0x38;
	[tilespmem:$0x10200] =	vst v63  }
0x35: {  	s16 =	sadd.s32 $0x40, s16;
	v0 =	vld.msk [tilespmem:s17+$0x0 ss:$0x1], $0xffff  }
0x36: {  	_ =	sdelay $0x3  }
0x37: {  	vm2 =	vgt.s32 v0, $0x0  }
0x38: {  	v0 =	vnsel vm2, $0x0, v0  }
0x39: {  	v0 =	vmin.u32 v0, $0xFFFF  }
0x3a: {  	v0 =	vshll.u32 v0, $0x4;
	_ =	sdelay $0x3  }
0x3b: {  	s14 =	sadd.s32 $0x800, s15  }
0x3c: {  	[tilespmem:s14], [sflag:$0x1] =	stream.indirect_vreg.gather [hbm:s3], $0x80, v0, vm0, $0x38;
	[tilespmem:$0x10200] =	vst v63  }
0x3d: {  	s14 =	sadd.s32 $0x400, s14  }
0x3e: {  	[tilespmem:s14], [sflag:$0x1] =	stream.indirect_vreg.gather [hbm:s3], $0x80, v0, vm1, $0x38;
	[tilespmem:$0x10200] =	vst v63  }
0x3f: {  	s11 =	sshll.u32 s11, $0x4;
	_ =	swait.ge [sflag:s4], $0x8000  }
0x40: {  	s11 =	sadd.s32 s11, s7;
	[sflag:s4] =	ssyncset.done $0x0  }
0x41: {  	s15 =	sadd.s32 $0x0, s11;
	s14 =	simm.s32 $0x80;
	[sflag:s4] =	ssyncadd.s32 $0xFFFF8000  }
.LBB2_5:
0x42: {  	[hbm:s15] =	stream.linear.scatter [tilespmem:s12], [sflag:$0x3], $0x400, $0x38;
	[tilespmem:$0x10200] =	vst v63  }
0x43: {  	s15 =	smov.u32 s14;
	s12 =	smov.u32 s13;
	p1 =	sne.s32 s14, $0xF80  }
.Ltmp4:
0x44: {  	s14 =	sadd.s32 $0x80, s14;
	(pc) =	sbr.rel @p1 .LBB2_5-.Ltmp4, $2  }
0x45: {  	_ =	sdelay $0x2  }
0x46: {  	s13 =	sadd.s32 $0x400, s13;
	s15 =	sadd.s32 s15, s11  }
.Ltmp5:
0x47: {  	(pc) =	sbr.rel .LBB2_7-.Ltmp5, $2  }
0x48: {  	_ =	sdelay $0x2  }
0x49: {  	[hbm:s15] =	stream.linear.scatter [tilespmem:s12], [sflag:$0x3], $0x400, $0x38;
	[tilespmem:$0x10200] =	vst v63  }
.LBB2_8:
0x4a: {  	_ =	sfence.sel $0x180000  }
0x4b: {  	s2 =	simm.s32 $0x2;
	[bflag:$0x0] =	sbarrier.arrive $0xFFFF  }
0x4c: {  	s30 =	simm.s32 $0x3;
	[sflag:s2] =	ssyncpa.u1 $0x1  }
0x4d: {  	s31 =	simm.s32 $0x1;
	[sflag:s30] =	ssyncpa.u1 $0x1  }
0x4e: {  	[sflag:s31] =	ssyncpa.u1 $0x1  }
0x4f: {  	p0 =	sne.s32 s1, $0x0;
	_ =	strace $0x9000004A  }
0x50: {  	s0 =	sadd.s32 @!p0 $0x100000, s0;
	[bflag:$0x2] =	sbarrier.arrive $0xFFFF  }
0x51: {  	[sflag:s0] =	ssyncadd.tile.s32 @!p0 $0x1;
	_ =	shalt  }
.Lfunc_end2:
_tile_overlayer_lowered:
.L_overlay_start_2:
0x52: {  	(tag) =	ssettag $0x2  }
0x53: {  	s0 =	rddreg [dreg:$0x0];
	s2 =	stileid.u32  }
0x54: {  	s1 =	rddreg [dreg:$0x1];
	p0 =	sne.s32 s2, $0x0  }
0x55: {  	s3 =	rddreg [dreg:$0x2];
	[bflag:$0x3] =	sbarrier.arrive $0xFFFF;
	s2 =	simm.s32 @!p0 $0x1C01  }
0x56: {  	[timem:s3], [sflag:s2] =	dma.local @!p0 [hbm:s0], s1  }
0x57: {  	s0 =	simm.s32 @!p0 $0x1  }
0x58: {  	_ =	swait.ge @!p0 [sflag:s0], s1  }
0x59: {  	s1 =	ssub.s32 @!p0 $0x0, s1;
	[sflag:s0] =	ssyncset.done @!p0 $0x0  }
0x5a: {  	[sflag:s0] =	ssyncadd.s32 @!p0 s1  }
0x5b: {  	[bflag:$0x3] =	sbarrier.arrive $0xFFFF  }
0x5c: {  	_ =	shalt  }

</sc_bundles>
